<compile_context>
chip_gen: v7x
topology: tpu7x:2x2x1
jax: 0.10.2.dev20260603
libtpu: 0.0.44.dev20260713+nightly
codegen_flags: <defaults>
</compile_context>

<pallas_src>
import functools

import jax
import jax.numpy as jnp
from jax import lax
from jax.experimental import pallas as pl
from jax.experimental.pallas import tpu as pltpu
from jax.experimental.pallas import tpu_sc as plsc

NC = 2
NS = 16
L = 16
NW = NC * NS

B = 16384
C = 128
ROWS_PER_TILE = B // NW
GROUPS = ROWS_PER_TILE // L

_LN2 = 0.6931471805599453
_SQRT2 = 1.4142135623730951


def _log16(s):
    bits = lax.bitcast_convert_type(s, jnp.int32)
    e = lax.shift_right_logical(bits, 23) - 127
    mant = lax.bitwise_or(lax.bitwise_and(bits, 0x7FFFFF), 0x3F800000)
    m = lax.bitcast_convert_type(mant, jnp.float32)
    big = m > _SQRT2
    m = jnp.where(big, m * 0.5, m)
    ef = e.astype(jnp.float32) + jnp.where(big, 1.0, 0.0)
    t = (m - 1.0) / (m + 1.0)
    t2 = t * t
    poly = t * (2.0 + t2 * (2.0 / 3.0 + t2 * (2.0 / 5.0 + t2 * (2.0 / 7.0))))
    return ef * _LN2 + poly


def _tile_body(x_hbm, tgt_hbm, maskf_hbm, mlist_hbm, out_hbm,
               x_v, tgt_v, maskf_v, mlist_v, res_v, sems):
    wid = lax.axis_index("s") * NC + lax.axis_index("c")
    rbase = wid * ROWS_PER_TILE

    xcopy = pltpu.async_copy(
        x_hbm.at[pl.ds(rbase * C, ROWS_PER_TILE * C)], x_v, sems[0])
    pltpu.sync_copy(tgt_hbm.at[pl.ds(rbase, ROWS_PER_TILE)], tgt_v)
    pltpu.sync_copy(maskf_hbm.at[pl.ds(rbase, ROWS_PER_TILE)], maskf_v)
    pltpu.sync_copy(mlist_hbm, mlist_v)
    xcopy.wait()

    lane = lax.iota(jnp.int32, L)
    rot = [(c + lane) & (L - 1) for c in range(L)]

    def group_body(g, carry):
        acc, cnt = carry
        rows = g * L + lane
        fbase = rows * C

        def p2_body(b, s):
            fb = fbase + b * (2 * L)
            for c in range(L):
                s = s + jnp.exp(plsc.load_gather(x_v, [fb + rot[c]]))
            fb2 = fb + L
            for c in range(L):
                s = s + jnp.exp(plsc.load_gather(x_v, [fb2 + rot[c]]))
            return s

        s = lax.fori_loop(0, C // (2 * L), p2_body,
                          jnp.zeros((L,), jnp.float32))
        t = tgt_v[pl.ds(g * L, L)]
        mk = maskf_v[pl.ds(g * L, L)]
        xt = plsc.load_gather(x_v, [fbase + t])
        mr = plsc.load_gather(mlist_v, [t])
        s = s - jnp.exp(xt) + jnp.exp(xt - mr)
        loss = _log16(s) - xt + mr
        return acc + loss * mk, cnt + mk

    zero = jnp.zeros((L,), jnp.float32)
    acc, cnt = plsc.parallel_loop(0, GROUPS, carry=(zero, zero))(
        lambda g, carry: group_body(g, carry))

    acc_s = jnp.sum(acc)
    cnt_s = jnp.sum(cnt)
    res = jnp.where(lane == 0, acc_s, jnp.where(lane == 1, cnt_s, 0.0))
    res_v[...] = res
    pltpu.sync_copy(res_v, out_hbm.at[wid])


@jax.jit
def _ldam_partials(x1d, target, maskf, m_list):
    mesh = plsc.VectorSubcoreMesh(
        core_axis_name="c", subcore_axis_name="s",
        num_cores=NC, num_subcores=NS)
    return pl.kernel(
        _tile_body,
        out_type=jax.ShapeDtypeStruct((NW, L), jnp.float32),
        mesh=mesh,
        compiler_params=pltpu.CompilerParams(needs_layout_passes=False),
        scratch_types=[
            pltpu.VMEM((ROWS_PER_TILE * C,), jnp.float32),
            pltpu.VMEM((ROWS_PER_TILE,), jnp.int32),
            pltpu.VMEM((ROWS_PER_TILE,), jnp.float32),
            pltpu.VMEM((C,), jnp.float32),
            pltpu.VMEM((L,), jnp.float32),
            [pltpu.SemaphoreType.DMA],
        ],
    )(x1d, target, maskf, m_list)


def kernel(x, target, mask, m_list):
    x1d = x.reshape(-1)
    target = target.reshape(-1).astype(jnp.int32)
    maskf = mask.reshape(-1).astype(jnp.float32)
    partials = _ldam_partials(x1d, target, maskf, m_list)
    return jnp.sum(partials[:, 0]) / jnp.sum(partials[:, 1])

# --- scband reference (transcript-rebuilt; emitter-appended) ---
"""Pipeline reference for scband-ldamloss-with-mask-18786186953447 (READ-ONLY COPY).

The authoritative reference and input builder live on the scoring server;
editing this copy changes nothing except your own understanding.
"""

import jax, jax.numpy as jnp
import numpy as np

CLS_NUM_LIST = np.array([50000]*16 + [20000]*16 + [8000]*16 + [3000]*16 + [1200]*16 + [500]*16 + [200]*16 + [80]*16, dtype=np.float64)
MAX_M = 2.4


def _make_m_list():
    m = 1.0 / np.sqrt(np.sqrt(CLS_NUM_LIST))
    m = m * (MAX_M / np.max(m))
    return jnp.asarray(m, dtype=jnp.float32)


def setup_inputs(seed: int = 0) -> dict:
    key = jax.random.key(seed)
    k1, k2, k3 = jax.random.split(key, 3)
    B, C = 16384, 128
    x = jax.random.normal(k1, (B, C), dtype=jnp.float32)
    target = jax.random.randint(k2, (B,), 0, C, dtype=jnp.int32)
    mask = jax.random.randint(k3, (B,), 0, 2, dtype=jnp.int32).astype(bool)
    m_list = _make_m_list()
    return {"x": x, "target": target, "mask": mask, "m_list": m_list}


def reference(x, target, mask, m_list):
    target = target.reshape(-1)
    mask = mask.reshape(-1)
    C = x.shape[1]
    # index = one-hot scatter of target
    index = jax.nn.one_hot(target, C, dtype=jnp.bool_)
    batch_m = m_list[target][:, None]
    x_m = x - batch_m
    output = jnp.where(index, x_m, x)
    # cross_entropy with reduction='none'
    logp = jax.nn.log_softmax(output, axis=-1)
    unreduction_loss = -jnp.take_along_axis(logp, target[:, None].astype(jnp.int32), axis=1)[:, 0]
    w = jnp.sum(mask.astype(jnp.float32))
    loss = jnp.sum(jnp.where(mask, unreduction_loss, 0.0)) / w
    return loss

if __name__ == "__main__":
    import jax
    _d = setup_inputs()
    print(jax.jit(kernel)(*tuple(_d.values())))

</pallas_src>

<mosaic_0001>
#map = affine_map<(d0, d1) -> (0)>
#map1 = affine_map<(d0, d1) -> (0, 0)>
module attributes {stable_mosaic.version = 14 : i64} {
  func.func @_tile_body(%arg0: i32, %arg1: i32, %arg2: memref<2097152xf32, #tpu.memory_space<hbm>>, %arg3: memref<16384xi32, #tpu.memory_space<hbm>>, %arg4: memref<16384xf32, #tpu.memory_space<hbm>>, %arg5: memref<128xf32, #tpu.memory_space<hbm>>, %arg6: memref<32x16xf32, #tpu.memory_space<hbm>>, %arg7: memref<65536xf32, #tpu.memory_space<vmem>>, %arg8: memref<512xi32, #tpu.memory_space<vmem>>, %arg9: memref<512xf32, #tpu.memory_space<vmem>>, %arg10: memref<128xf32, #tpu.memory_space<vmem>>, %arg11: memref<16xf32, #tpu.memory_space<vmem>>, %arg12: memref<!tpu.dma_semaphore, #tpu.memory_space<semaphore_mem>>) attributes {dimension_semantics = [#tpu.dimension_semantics<core_parallel>, #tpu.dimension_semantics<subcore_parallel>], iteration_bounds = array<i64: 2, 16>, scalar_prefetch = 0 : i64, scratch_operands = 6 : i64, tpu.core_type = #tpu.core_type<sc_vector_subcore>, window_params = [{transform_indices = #map}, {transform_indices = #map}, {transform_indices = #map}, {transform_indices = #map}, {transform_indices = #map1}]} {
    %mul3A = arith.constant 2 : i32
    %mul3A_0 = arith.muli %arg1, %mul3A : i32
    %add3A = arith.addi %mul3A_0, %arg0 : i32
    %mul3A_1 = arith.constant 512 : i32
    %mul3A_2 = arith.muli %add3A, %mul3A_1 : i32
    %mul3A_3 = arith.constant 128 : i32
    %mul3A_4 = arith.muli %mul3A_2, %mul3A_3 : i32
    %dma_start3A = tpu.memref_slice %arg2[%mul3A_4] : memref<2097152xf32, #tpu.memory_space<hbm>> -> memref<65536xf32, #tpu.memory_space<hbm>>
    %dma_start3A_5 = tpu.memref_slice %arg2[%mul3A_4] : memref<2097152xf32, #tpu.memory_space<hbm>> -> memref<65536xf32, #tpu.memory_space<hbm>>
    tpu.enqueue_dma source(%dma_start3A_5 : memref<65536xf32, #tpu.memory_space<hbm>>) target(%arg7 : memref<65536xf32, #tpu.memory_space<vmem>>) target_semaphore(%arg12 : memref<!tpu.dma_semaphore, #tpu.memory_space<semaphore_mem>>)
    "tpu.region"() ({
      %run_scoped3A = tpu.sem_alloc : memref<!tpu.dma_semaphore, #tpu.memory_space<semaphore_mem>>
      %dma_start3A_123 = tpu.memref_slice %arg3[%mul3A_2] : memref<16384xi32, #tpu.memory_space<hbm>> -> memref<512xi32, #tpu.memory_space<hbm>>
      %dma_start3A_124 = tpu.memref_slice %arg3[%mul3A_2] : memref<16384xi32, #tpu.memory_space<hbm>> -> memref<512xi32, #tpu.memory_space<hbm>>
      tpu.enqueue_dma source(%dma_start3A_124 : memref<512xi32, #tpu.memory_space<hbm>>) target(%arg8 : memref<512xi32, #tpu.memory_space<vmem>>) target_semaphore(%run_scoped3A : memref<!tpu.dma_semaphore, #tpu.memory_space<semaphore_mem>>)
      %dma_wait3A_125 = tpu.memref_slice %arg3[%mul3A_2] : memref<16384xi32, #tpu.memory_space<hbm>> -> memref<512xi32, #tpu.memory_space<hbm>>
      %dma_wait3A_126 = tpu.memref_slice %arg3[%mul3A_2] : memref<16384xi32, #tpu.memory_space<hbm>> -> memref<512xi32, #tpu.memory_space<hbm>>
      tpu.wait_dma2 semaphore(%run_scoped3A : memref<!tpu.dma_semaphore, #tpu.memory_space<semaphore_mem>>) src(%dma_wait3A_126 : memref<512xi32, #tpu.memory_space<hbm>>) dst(%arg8 : memref<512xi32, #tpu.memory_space<vmem>>)
      tpu.yield
    }) : () -> ()
    "tpu.region"() ({
      %run_scoped3A = tpu.sem_alloc : memref<!tpu.dma_semaphore, #tpu.memory_space<semaphore_mem>>
      %dma_start3A_123 = tpu.memref_slice %arg4[%mul3A_2] : memref<16384xf32, #tpu.memory_space<hbm>> -> memref<512xf32, #tpu.memory_space<hbm>>
      %dma_start3A_124 = tpu.memref_slice %arg4[%mul3A_2] : memref<16384xf32, #tpu.memory_space<hbm>> -> memref<512xf32, #tpu.memory_space<hbm>>
      tpu.enqueue_dma source(%dma_start3A_124 : memref<512xf32, #tpu.memory_space<hbm>>) target(%arg9 : memref<512xf32, #tpu.memory_space<vmem>>) target_semaphore(%run_scoped3A : memref<!tpu.dma_semaphore, #tpu.memory_space<semaphore_mem>>)
      %dma_wait3A_125 = tpu.memref_slice %arg4[%mul3A_2] : memref<16384xf32, #tpu.memory_space<hbm>> -> memref<512xf32, #tpu.memory_space<hbm>>
      %dma_wait3A_126 = tpu.memref_slice %arg4[%mul3A_2] : memref<16384xf32, #tpu.memory_space<hbm>> -> memref<512xf32, #tpu.memory_space<hbm>>
      tpu.wait_dma2 semaphore(%run_scoped3A : memref<!tpu.dma_semaphore, #tpu.memory_space<semaphore_mem>>) src(%dma_wait3A_126 : memref<512xf32, #tpu.memory_space<hbm>>) dst(%arg9 : memref<512xf32, #tpu.memory_space<vmem>>)
      tpu.yield
    }) : () -> ()
    "tpu.region"() ({
      %run_scoped3A = tpu.sem_alloc : memref<!tpu.dma_semaphore, #tpu.memory_space<semaphore_mem>>
      tpu.enqueue_dma source(%arg5 : memref<128xf32, #tpu.memory_space<hbm>>) target(%arg10 : memref<128xf32, #tpu.memory_space<vmem>>) target_semaphore(%run_scoped3A : memref<!tpu.dma_semaphore, #tpu.memory_space<semaphore_mem>>)
      tpu.wait_dma2 semaphore(%run_scoped3A : memref<!tpu.dma_semaphore, #tpu.memory_space<semaphore_mem>>) src(%arg5 : memref<128xf32, #tpu.memory_space<hbm>>) dst(%arg10 : memref<128xf32, #tpu.memory_space<vmem>>)
      tpu.yield
    }) : () -> ()
    %dma_wait3A = tpu.memref_slice %arg2[%mul3A_4] : memref<2097152xf32, #tpu.memory_space<hbm>> -> memref<65536xf32, #tpu.memory_space<hbm>>
    %dma_wait3A_6 = tpu.memref_slice %arg2[%mul3A_4] : memref<2097152xf32, #tpu.memory_space<hbm>> -> memref<65536xf32, #tpu.memory_space<hbm>>
    tpu.wait_dma2 semaphore(%arg12 : memref<!tpu.dma_semaphore, #tpu.memory_space<semaphore_mem>>) src(%dma_wait3A_6 : memref<65536xf32, #tpu.memory_space<hbm>>) dst(%arg7 : memref<65536xf32, #tpu.memory_space<vmem>>)
    %iota3A = tpu.iota {dimensions = array<i32: 0>} : vector<16xi32>
    %add3A_7 = arith.constant 0 : i32
    %add3A_8 = vector.broadcast %add3A_7 : i32 to vector<16xi32>
    %add3A_9 = arith.addi %add3A_8, %iota3A : vector<16xi32>
    %and3A = arith.constant 15 : i32
    %and3A_10 = vector.broadcast %and3A : i32 to vector<16xi32>
    %and3A_11 = arith.andi %add3A_9, %and3A_10 : vector<16xi32>
    %add3A_12 = arith.constant 1 : i32
    %add3A_13 = vector.broadcast %add3A_12 : i32 to vector<16xi32>
    %add3A_14 = arith.addi %add3A_13, %iota3A : vector<16xi32>
    %and3A_15 = arith.constant 15 : i32
    %and3A_16 = vector.broadcast %and3A_15 : i32 to vector<16xi32>
    %and3A_17 = arith.andi %add3A_14, %and3A_16 : vector<16xi32>
    %add3A_18 = arith.constant 2 : i32
    %add3A_19 = vector.broadcast %add3A_18 : i32 to vector<16xi32>
    %add3A_20 = arith.addi %add3A_19, %iota3A : vector<16xi32>
    %and3A_21 = arith.constant 15 : i32
    %and3A_22 = vector.broadcast %and3A_21 : i32 to vector<16xi32>
    %and3A_23 = arith.andi %add3A_20, %and3A_22 : vector<16xi32>
    %add3A_24 = arith.constant 3 : i32
    %add3A_25 = vector.broadcast %add3A_24 : i32 to vector<16xi32>
    %add3A_26 = arith.addi %add3A_25, %iota3A : vector<16xi32>
    %and3A_27 = arith.constant 15 : i32
    %and3A_28 = vector.broadcast %and3A_27 : i32 to vector<16xi32>
    %and3A_29 = arith.andi %add3A_26, %and3A_28 : vector<16xi32>
    %add3A_30 = arith.constant 4 : i32
    %add3A_31 = vector.broadcast %add3A_30 : i32 to vector<16xi32>
    %add3A_32 = arith.addi %add3A_31, %iota3A : vector<16xi32>
    %and3A_33 = arith.constant 15 : i32
    %and3A_34 = vector.broadcast %and3A_33 : i32 to vector<16xi32>
    %and3A_35 = arith.andi %add3A_32, %and3A_34 : vector<16xi32>
    %add3A_36 = arith.constant 5 : i32
    %add3A_37 = vector.broadcast %add3A_36 : i32 to vector<16xi32>
    %add3A_38 = arith.addi %add3A_37, %iota3A : vector<16xi32>
    %and3A_39 = arith.constant 15 : i32
    %and3A_40 = vector.broadcast %and3A_39 : i32 to vector<16xi32>
    %and3A_41 = arith.andi %add3A_38, %and3A_40 : vector<16xi32>
    %add3A_42 = arith.constant 6 : i32
    %add3A_43 = vector.broadcast %add3A_42 : i32 to vector<16xi32>
    %add3A_44 = arith.addi %add3A_43, %iota3A : vector<16xi32>
    %and3A_45 = arith.constant 15 : i32
    %and3A_46 = vector.broadcast %and3A_45 : i32 to vector<16xi32>
    %and3A_47 = arith.andi %add3A_44, %and3A_46 : vector<16xi32>
    %add3A_48 = arith.constant 7 : i32
    %add3A_49 = vector.broadcast %add3A_48 : i32 to vector<16xi32>
    %add3A_50 = arith.addi %add3A_49, %iota3A : vector<16xi32>
    %and3A_51 = arith.constant 15 : i32
    %and3A_52 = vector.broadcast %and3A_51 : i32 to vector<16xi32>
    %and3A_53 = arith.andi %add3A_50, %and3A_52 : vector<16xi32>
    %add3A_54 = arith.constant 8 : i32
    %add3A_55 = vector.broadcast %add3A_54 : i32 to vector<16xi32>
    %add3A_56 = arith.addi %add3A_55, %iota3A : vector<16xi32>
    %and3A_57 = arith.constant 15 : i32
    %and3A_58 = vector.broadcast %and3A_57 : i32 to vector<16xi32>
    %and3A_59 = arith.andi %add3A_56, %and3A_58 : vector<16xi32>
    %add3A_60 = arith.constant 9 : i32
    %add3A_61 = vector.broadcast %add3A_60 : i32 to vector<16xi32>
    %add3A_62 = arith.addi %add3A_61, %iota3A : vector<16xi32>
    %and3A_63 = arith.constant 15 : i32
    %and3A_64 = vector.broadcast %and3A_63 : i32 to vector<16xi32>
    %and3A_65 = arith.andi %add3A_62, %and3A_64 : vector<16xi32>
    %add3A_66 = arith.constant 10 : i32
    %add3A_67 = vector.broadcast %add3A_66 : i32 to vector<16xi32>
    %add3A_68 = arith.addi %add3A_67, %iota3A : vector<16xi32>
    %and3A_69 = arith.constant 15 : i32
    %and3A_70 = vector.broadcast %and3A_69 : i32 to vector<16xi32>
    %and3A_71 = arith.andi %add3A_68, %and3A_70 : vector<16xi32>
    %add3A_72 = arith.constant 11 : i32
    %add3A_73 = vector.broadcast %add3A_72 : i32 to vector<16xi32>
    %add3A_74 = arith.addi %add3A_73, %iota3A : vector<16xi32>
    %and3A_75 = arith.constant 15 : i32
    %and3A_76 = vector.broadcast %and3A_75 : i32 to vector<16xi32>
    %and3A_77 = arith.andi %add3A_74, %and3A_76 : vector<16xi32>
    %add3A_78 = arith.constant 12 : i32
    %add3A_79 = vector.broadcast %add3A_78 : i32 to vector<16xi32>
    %add3A_80 = arith.addi %add3A_79, %iota3A : vector<16xi32>
    %and3A_81 = arith.constant 15 : i32
    %and3A_82 = vector.broadcast %and3A_81 : i32 to vector<16xi32>
    %and3A_83 = arith.andi %add3A_80, %and3A_82 : vector<16xi32>
    %add3A_84 = arith.constant 13 : i32
    %add3A_85 = vector.broadcast %add3A_84 : i32 to vector<16xi32>
    %add3A_86 = arith.addi %add3A_85, %iota3A : vector<16xi32>
    %and3A_87 = arith.constant 15 : i32
    %and3A_88 = vector.broadcast %and3A_87 : i32 to vector<16xi32>
    %and3A_89 = arith.andi %add3A_86, %and3A_88 : vector<16xi32>
    %add3A_90 = arith.constant 14 : i32
    %add3A_91 = vector.broadcast %add3A_90 : i32 to vector<16xi32>
    %add3A_92 = arith.addi %add3A_91, %iota3A : vector<16xi32>
    %and3A_93 = arith.constant 15 : i32
    %and3A_94 = vector.broadcast %and3A_93 : i32 to vector<16xi32>
    %and3A_95 = arith.andi %add3A_92, %and3A_94 : vector<16xi32>
    %add3A_96 = arith.constant 15 : i32
    %add3A_97 = vector.broadcast %add3A_96 : i32 to vector<16xi32>
    %add3A_98 = arith.addi %add3A_97, %iota3A : vector<16xi32>
    %and3A_99 = arith.constant 15 : i32
    %and3A_100 = vector.broadcast %and3A_99 : i32 to vector<16xi32>
    %and3A_101 = arith.andi %add3A_98, %and3A_100 : vector<16xi32>
    %broadcast_in_dim3A = arith.constant 0.000000e+00 : f32
    %broadcast_in_dim3A_102 = vector.broadcast %broadcast_in_dim3A : f32 to vector<16xf32>
    %parallel_loop3A = arith.constant 0 : i32
    %parallel_loop3A_103 = arith.constant 32 : i32
    %parallel_loop3A_104 = arith.constant 1 : i32
    %parallel_loop3A_105:2 = scf.for %parallel_loop3A_123 = %parallel_loop3A to %parallel_loop3A_103 step %parallel_loop3A_104 iter_args(%parallel_loop3A_124 = %broadcast_in_dim3A_102, %parallel_loop3A_125 = %broadcast_in_dim3A_102) -> (vector<16xf32>, vector<16xf32>)  : i32 {
      %parallel_loop3A_126 = arith.constant 16 : i32
      %parallel_loop3A_127 = arith.muli %parallel_loop3A_123, %parallel_loop3A_126 : i32
      %parallel_loop3A_128 = vector.broadcast %parallel_loop3A_127 : i32 to vector<16xi32>
      %parallel_loop3A_129 = arith.addi %parallel_loop3A_128, %iota3A : vector<16xi32>
      %parallel_loop3A_130 = arith.constant 128 : i32
      %parallel_loop3A_131 = vector.broadcast %parallel_loop3A_130 : i32 to vector<16xi32>
      %parallel_loop3A_132 = arith.muli %parallel_loop3A_129, %parallel_loop3A_131 : vector<16xi32>
      %parallel_loop3A_133 = arith.constant 0.000000e+00 : f32
      %parallel_loop3A_134 = vector.broadcast %parallel_loop3A_133 : f32 to vector<16xf32>
      %parallel_loop3A_135 = arith.constant 0 : i32
      %parallel_loop3A_136 = arith.constant 4 : i32
      %parallel_loop3A_137 = arith.addi %parallel_loop3A_135, %parallel_loop3A_136 : i32
      %parallel_loop3A_138 = arith.constant 1 : i32
      %parallel_loop3A_139 = scf.for %scan3A = %parallel_loop3A_135 to %parallel_loop3A_137 step %parallel_loop3A_138 iter_args(%scan3A_217 = %parallel_loop3A_134) -> (vector<16xf32>)  : i32 {
        %parallel_loop3A_218 = arith.constant 32 : i32
        %parallel_loop3A_219 = arith.muli %scan3A, %parallel_loop3A_218 : i32
        %parallel_loop3A_220 = vector.broadcast %parallel_loop3A_219 : i32 to vector<16xi32>
        %parallel_loop3A_221 = arith.addi %parallel_loop3A_132, %parallel_loop3A_220 : vector<16xi32>
        %parallel_loop3A_222 = arith.addi %parallel_loop3A_221, %and3A_11 : vector<16xi32>
        %parallel_loop3A_223 = tpu.vector_load_idx %arg7[%parallel_loop3A_222] : memref<65536xf32, #tpu.memory_space<vmem>>[vector<16xi32>], vector<16xf32>,
        %parallel_loop3A_224 = math.exp %parallel_loop3A_223 : vector<16xf32>
        %parallel_loop3A_225 = arith.addf %scan3A_217, %parallel_loop3A_224 : vector<16xf32>
        %parallel_loop3A_226 = arith.addi %parallel_loop3A_221, %and3A_17 : vector<16xi32>
        %parallel_loop3A_227 = tpu.vector_load_idx %arg7[%parallel_loop3A_226] : memref<65536xf32, #tpu.memory_space<vmem>>[vector<16xi32>], vector<16xf32>,
        %parallel_loop3A_228 = math.exp %parallel_loop3A_227 : vector<16xf32>
        %parallel_loop3A_229 = arith.addf %parallel_loop3A_225, %parallel_loop3A_228 : vector<16xf32>
        %parallel_loop3A_230 = arith.addi %parallel_loop3A_221, %and3A_23 : vector<16xi32>
        %parallel_loop3A_231 = tpu.vector_load_idx %arg7[%parallel_loop3A_230] : memref<65536xf32, #tpu.memory_space<vmem>>[vector<16xi32>], vector<16xf32>,
        %parallel_loop3A_232 = math.exp %parallel_loop3A_231 : vector<16xf32>
        %parallel_loop3A_233 = arith.addf %parallel_loop3A_229, %parallel_loop3A_232 : vector<16xf32>
        %parallel_loop3A_234 = arith.addi %parallel_loop3A_221, %and3A_29 : vector<16xi32>
        %parallel_loop3A_235 = tpu.vector_load_idx %arg7[%parallel_loop3A_234] : memref<65536xf32, #tpu.memory_space<vmem>>[vector<16xi32>], vector<16xf32>,
        %parallel_loop3A_236 = math.exp %parallel_loop3A_235 : vector<16xf32>
        %parallel_loop3A_237 = arith.addf %parallel_loop3A_233, %parallel_loop3A_236 : vector<16xf32>
        %parallel_loop3A_238 = arith.addi %parallel_loop3A_221, %and3A_35 : vector<16xi32>
        %parallel_loop3A_239 = tpu.vector_load_idx %arg7[%parallel_loop3A_238] : memref<65536xf32, #tpu.memory_space<vmem>>[vector<16xi32>], vector<16xf32>,
        %parallel_loop3A_240 = math.exp %parallel_loop3A_239 : vector<16xf32>
        %parallel_loop3A_241 = arith.addf %parallel_loop3A_237, %parallel_loop3A_240 : vector<16xf32>
        %parallel_loop3A_242 = arith.addi %parallel_loop3A_221, %and3A_41 : vector<16xi32>
        %parallel_loop3A_243 = tpu.vector_load_idx %arg7[%parallel_loop3A_242] : memref<65536xf32, #tpu.memory_space<vmem>>[vector<16xi32>], vector<16xf32>,
        %parallel_loop3A_244 = math.exp %parallel_loop3A_243 : vector<16xf32>
        %parallel_loop3A_245 = arith.addf %parallel_loop3A_241, %parallel_loop3A_244 : vector<16xf32>
        %parallel_loop3A_246 = arith.addi %parallel_loop3A_221, %and3A_47 : vector<16xi32>
        %parallel_loop3A_247 = tpu.vector_load_idx %arg7[%parallel_loop3A_246] : memref<65536xf32, #tpu.memory_space<vmem>>[vector<16xi32>], vector<16xf32>,
        %parallel_loop3A_248 = math.exp %parallel_loop3A_247 : vector<16xf32>
        %parallel_loop3A_249 = arith.addf %parallel_loop3A_245, %parallel_loop3A_248 : vector<16xf32>
        %parallel_loop3A_250 = arith.addi %parallel_loop3A_221, %and3A_53 : vector<16xi32>
        %parallel_loop3A_251 = tpu.vector_load_idx %arg7[%parallel_loop3A_250] : memref<65536xf32, #tpu.memory_space<vmem>>[vector<16xi32>], vector<16xf32>,
        %parallel_loop3A_252 = math.exp %parallel_loop3A_251 : vector<16xf32>
        %parallel_loop3A_253 = arith.addf %parallel_loop3A_249, %parallel_loop3A_252 : vector<16xf32>
        %parallel_loop3A_254 = arith.addi %parallel_loop3A_221, %and3A_59 : vector<16xi32>
        %parallel_loop3A_255 = tpu.vector_load_idx %arg7[%parallel_loop3A_254] : memref<65536xf32, #tpu.memory_space<vmem>>[vector<16xi32>], vector<16xf32>,
        %parallel_loop3A_256 = math.exp %parallel_loop3A_255 : vector<16xf32>
        %parallel_loop3A_257 = arith.addf %parallel_loop3A_253, %parallel_loop3A_256 : vector<16xf32>
        %parallel_loop3A_258 = arith.addi %parallel_loop3A_221, %and3A_65 : vector<16xi32>
        %parallel_loop3A_259 = tpu.vector_load_idx %arg7[%parallel_loop3A_258] : memref<65536xf32, #tpu.memory_space<vmem>>[vector<16xi32>], vector<16xf32>,
        %parallel_loop3A_260 = math.exp %parallel_loop3A_259 : vector<16xf32>
        %parallel_loop3A_261 = arith.addf %parallel_loop3A_257, %parallel_loop3A_260 : vector<16xf32>
        %parallel_loop3A_262 = arith.addi %parallel_loop3A_221, %and3A_71 : vector<16xi32>
        %parallel_loop3A_263 = tpu.vector_load_idx %arg7[%parallel_loop3A_262] : memref<65536xf32, #tpu.memory_space<vmem>>[vector<16xi32>], vector<16xf32>,
        %parallel_loop3A_264 = math.exp %parallel_loop3A_263 : vector<16xf32>
        %parallel_loop3A_265 = arith.addf %parallel_loop3A_261, %parallel_loop3A_264 : vector<16xf32>
        %parallel_loop3A_266 = arith.addi %parallel_loop3A_221, %and3A_77 : vector<16xi32>
        %parallel_loop3A_267 = tpu.vector_load_idx %arg7[%parallel_loop3A_266] : memref<65536xf32, #tpu.memory_space<vmem>>[vector<16xi32>], vector<16xf32>,
        %parallel_loop3A_268 = math.exp %parallel_loop3A_267 : vector<16xf32>
        %parallel_loop3A_269 = arith.addf %parallel_loop3A_265, %parallel_loop3A_268 : vector<16xf32>
        %parallel_loop3A_270 = arith.addi %parallel_loop3A_221, %and3A_83 : vector<16xi32>
        %parallel_loop3A_271 = tpu.vector_load_idx %arg7[%parallel_loop3A_270] : memref<65536xf32, #tpu.memory_space<vmem>>[vector<16xi32>], vector<16xf32>,
        %parallel_loop3A_272 = math.exp %parallel_loop3A_271 : vector<16xf32>
        %parallel_loop3A_273 = arith.addf %parallel_loop3A_269, %parallel_loop3A_272 : vector<16xf32>
        %parallel_loop3A_274 = arith.addi %parallel_loop3A_221, %and3A_89 : vector<16xi32>
        %parallel_loop3A_275 = tpu.vector_load_idx %arg7[%parallel_loop3A_274] : memref<65536xf32, #tpu.memory_space<vmem>>[vector<16xi32>], vector<16xf32>,
        %parallel_loop3A_276 = math.exp %parallel_loop3A_275 : vector<16xf32>
        %parallel_loop3A_277 = arith.addf %parallel_loop3A_273, %parallel_loop3A_276 : vector<16xf32>
        %parallel_loop3A_278 = arith.addi %parallel_loop3A_221, %and3A_95 : vector<16xi32>
        %parallel_loop3A_279 = tpu.vector_load_idx %arg7[%parallel_loop3A_278] : memref<65536xf32, #tpu.memory_space<vmem>>[vector<16xi32>], vector<16xf32>,
        %parallel_loop3A_280 = math.exp %parallel_loop3A_279 : vector<16xf32>
        %parallel_loop3A_281 = arith.addf %parallel_loop3A_277, %parallel_loop3A_280 : vector<16xf32>
        %parallel_loop3A_282 = arith.addi %parallel_loop3A_221, %and3A_101 : vector<16xi32>
        %parallel_loop3A_283 = tpu.vector_load_idx %arg7[%parallel_loop3A_282] : memref<65536xf32, #tpu.memory_space<vmem>>[vector<16xi32>], vector<16xf32>,
        %parallel_loop3A_284 = math.exp %parallel_loop3A_283 : vector<16xf32>
        %parallel_loop3A_285 = arith.addf %parallel_loop3A_281, %parallel_loop3A_284 : vector<16xf32>
        %parallel_loop3A_286 = arith.constant 16 : i32
        %parallel_loop3A_287 = vector.broadcast %parallel_loop3A_286 : i32 to vector<16xi32>
        %parallel_loop3A_288 = arith.addi %parallel_loop3A_221, %parallel_loop3A_287 : vector<16xi32>
        %parallel_loop3A_289 = arith.addi %parallel_loop3A_288, %and3A_11 : vector<16xi32>
        %parallel_loop3A_290 = tpu.vector_load_idx %arg7[%parallel_loop3A_289] : memref<65536xf32, #tpu.memory_space<vmem>>[vector<16xi32>], vector<16xf32>,
        %parallel_loop3A_291 = math.exp %parallel_loop3A_290 : vector<16xf32>
        %parallel_loop3A_292 = arith.addf %parallel_loop3A_285, %parallel_loop3A_291 : vector<16xf32>
        %parallel_loop3A_293 = arith.addi %parallel_loop3A_288, %and3A_17 : vector<16xi32>
        %parallel_loop3A_294 = tpu.vector_load_idx %arg7[%parallel_loop3A_293] : memref<65536xf32, #tpu.memory_space<vmem>>[vector<16xi32>], vector<16xf32>,
        %parallel_loop3A_295 = math.exp %parallel_loop3A_294 : vector<16xf32>
        %parallel_loop3A_296 = arith.addf %parallel_loop3A_292, %parallel_loop3A_295 : vector<16xf32>
        %parallel_loop3A_297 = arith.addi %parallel_loop3A_288, %and3A_23 : vector<16xi32>
        %parallel_loop3A_298 = tpu.vector_load_idx %arg7[%parallel_loop3A_297] : memref<65536xf32, #tpu.memory_space<vmem>>[vector<16xi32>], vector<16xf32>,
        %parallel_loop3A_299 = math.exp %parallel_loop3A_298 : vector<16xf32>
        %parallel_loop3A_300 = arith.addf %parallel_loop3A_296, %parallel_loop3A_299 : vector<16xf32>
        %parallel_loop3A_301 = arith.addi %parallel_loop3A_288, %and3A_29 : vector<16xi32>
        %parallel_loop3A_302 = tpu.vector_load_idx %arg7[%parallel_loop3A_301] : memref<65536xf32, #tpu.memory_space<vmem>>[vector<16xi32>], vector<16xf32>,
        %parallel_loop3A_303 = math.exp %parallel_loop3A_302 : vector<16xf32>
        %parallel_loop3A_304 = arith.addf %parallel_loop3A_300, %parallel_loop3A_303 : vector<16xf32>
        %parallel_loop3A_305 = arith.addi %parallel_loop3A_288, %and3A_35 : vector<16xi32>
        %parallel_loop3A_306 = tpu.vector_load_idx %arg7[%parallel_loop3A_305] : memref<65536xf32, #tpu.memory_space<vmem>>[vector<16xi32>], vector<16xf32>,
        %parallel_loop3A_307 = math.exp %parallel_loop3A_306 : vector<16xf32>
        %parallel_loop3A_308 = arith.addf %parallel_loop3A_304, %parallel_loop3A_307 : vector<16xf32>
        %parallel_loop3A_309 = arith.addi %parallel_loop3A_288, %and3A_41 : vector<16xi32>
        %parallel_loop3A_310 = tpu.vector_load_idx %arg7[%parallel_loop3A_309] : memref<65536xf32, #tpu.memory_space<vmem>>[vector<16xi32>], vector<16xf32>,
        %parallel_loop3A_311 = math.exp %parallel_loop3A_310 : vector<16xf32>
        %parallel_loop3A_312 = arith.addf %parallel_loop3A_308, %parallel_loop3A_311 : vector<16xf32>
        %parallel_loop3A_313 = arith.addi %parallel_loop3A_288, %and3A_47 : vector<16xi32>
        %parallel_loop3A_314 = tpu.vector_load_idx %arg7[%parallel_loop3A_313] : memref<65536xf32, #tpu.memory_space<vmem>>[vector<16xi32>], vector<16xf32>,
        %parallel_loop3A_315 = math.exp %parallel_loop3A_314 : vector<16xf32>
        %parallel_loop3A_316 = arith.addf %parallel_loop3A_312, %parallel_loop3A_315 : vector<16xf32>
        %parallel_loop3A_317 = arith.addi %parallel_loop3A_288, %and3A_53 : vector<16xi32>
        %parallel_loop3A_318 = tpu.vector_load_idx %arg7[%parallel_loop3A_317] : memref<65536xf32, #tpu.memory_space<vmem>>[vector<16xi32>], vector<16xf32>,
        %parallel_loop3A_319 = math.exp %parallel_loop3A_318 : vector<16xf32>
        %parallel_loop3A_320 = arith.addf %parallel_loop3A_316, %parallel_loop3A_319 : vector<16xf32>
        %parallel_loop3A_321 = arith.addi %parallel_loop3A_288, %and3A_59 : vector<16xi32>
        %parallel_loop3A_322 = tpu.vector_load_idx %arg7[%parallel_loop3A_321] : memref<65536xf32, #tpu.memory_space<vmem>>[vector<16xi32>], vector<16xf32>,
        %parallel_loop3A_323 = math.exp %parallel_loop3A_322 : vector<16xf32>
        %parallel_loop3A_324 = arith.addf %parallel_loop3A_320, %parallel_loop3A_323 : vector<16xf32>
        %parallel_loop3A_325 = arith.addi %parallel_loop3A_288, %and3A_65 : vector<16xi32>
        %parallel_loop3A_326 = tpu.vector_load_idx %arg7[%parallel_loop3A_325] : memref<65536xf32, #tpu.memory_space<vmem>>[vector<16xi32>], vector<16xf32>,
        %parallel_loop3A_327 = math.exp %parallel_loop3A_326 : vector<16xf32>
        %parallel_loop3A_328 = arith.addf %parallel_loop3A_324, %parallel_loop3A_327 : vector<16xf32>
        %parallel_loop3A_329 = arith.addi %parallel_loop3A_288, %and3A_71 : vector<16xi32>
        %parallel_loop3A_330 = tpu.vector_load_idx %arg7[%parallel_loop3A_329] : memref<65536xf32, #tpu.memory_space<vmem>>[vector<16xi32>], vector<16xf32>,
        %parallel_loop3A_331 = math.exp %parallel_loop3A_330 : vector<16xf32>
        %parallel_loop3A_332 = arith.addf %parallel_loop3A_328, %parallel_loop3A_331 : vector<16xf32>
        %parallel_loop3A_333 = arith.addi %parallel_loop3A_288, %and3A_77 : vector<16xi32>
        %parallel_loop3A_334 = tpu.vector_load_idx %arg7[%parallel_loop3A_333] : memref<65536xf32, #tpu.memory_space<vmem>>[vector<16xi32>], vector<16xf32>,
        %parallel_loop3A_335 = math.exp %parallel_loop3A_334 : vector<16xf32>
        %parallel_loop3A_336 = arith.addf %parallel_loop3A_332, %parallel_loop3A_335 : vector<16xf32>
        %parallel_loop3A_337 = arith.addi %parallel_loop3A_288, %and3A_83 : vector<16xi32>
        %parallel_loop3A_338 = tpu.vector_load_idx %arg7[%parallel_loop3A_337] : memref<65536xf32, #tpu.memory_space<vmem>>[vector<16xi32>], vector<16xf32>,
        %parallel_loop3A_339 = math.exp %parallel_loop3A_338 : vector<16xf32>
        %parallel_loop3A_340 = arith.addf %parallel_loop3A_336, %parallel_loop3A_339 : vector<16xf32>
        %parallel_loop3A_341 = arith.addi %parallel_loop3A_288, %and3A_89 : vector<16xi32>
        %parallel_loop3A_342 = tpu.vector_load_idx %arg7[%parallel_loop3A_341] : memref<65536xf32, #tpu.memory_space<vmem>>[vector<16xi32>], vector<16xf32>,
        %parallel_loop3A_343 = math.exp %parallel_loop3A_342 : vector<16xf32>
        %parallel_loop3A_344 = arith.addf %parallel_loop3A_340, %parallel_loop3A_343 : vector<16xf32>
        %parallel_loop3A_345 = arith.addi %parallel_loop3A_288, %and3A_95 : vector<16xi32>
        %parallel_loop3A_346 = tpu.vector_load_idx %arg7[%parallel_loop3A_345] : memref<65536xf32, #tpu.memory_space<vmem>>[vector<16xi32>], vector<16xf32>,
        %parallel_loop3A_347 = math.exp %parallel_loop3A_346 : vector<16xf32>
        %parallel_loop3A_348 = arith.addf %parallel_loop3A_344, %parallel_loop3A_347 : vector<16xf32>
        %parallel_loop3A_349 = arith.addi %parallel_loop3A_288, %and3A_101 : vector<16xi32>
        %parallel_loop3A_350 = tpu.vector_load_idx %arg7[%parallel_loop3A_349] : memref<65536xf32, #tpu.memory_space<vmem>>[vector<16xi32>], vector<16xf32>,
        %parallel_loop3A_351 = math.exp %parallel_loop3A_350 : vector<16xf32>
        %parallel_loop3A_352 = arith.addf %parallel_loop3A_348, %parallel_loop3A_351 : vector<16xf32>
        scf.yield %parallel_loop3A_352 : vector<16xf32>
      }
      %parallel_loop3A_140 = arith.constant 4 : i32
      %parallel_loop3A_141 = arith.constant 16 : i32
      %parallel_loop3A_142 = arith.muli %parallel_loop3A_123, %parallel_loop3A_141 : i32
      %parallel_loop3A_143 = arith.index_cast %parallel_loop3A_142 : i32 to index
      %parallel_loop3A_144 = tpu.vector_load %arg8[%parallel_loop3A_143] {strides = array<i32>} : memref<512xi32, #tpu.memory_space<vmem>>, vector<16xi32>,
      %parallel_loop3A_145 = arith.constant 16 : i32
      %parallel_loop3A_146 = arith.muli %parallel_loop3A_123, %parallel_loop3A_145 : i32
      %parallel_loop3A_147 = arith.index_cast %parallel_loop3A_146 : i32 to index
      %parallel_loop3A_148 = tpu.vector_load %arg9[%parallel_loop3A_147] {strides = array<i32>} : memref<512xf32, #tpu.memory_space<vmem>>, vector<16xf32>,
      %parallel_loop3A_149 = arith.addi %parallel_loop3A_132, %parallel_loop3A_144 : vector<16xi32>
      %parallel_loop3A_150 = tpu.vector_load_idx %arg7[%parallel_loop3A_149] : memref<65536xf32, #tpu.memory_space<vmem>>[vector<16xi32>], vector<16xf32>,
      %parallel_loop3A_151 = tpu.vector_load_idx %arg10[%parallel_loop3A_144] : memref<128xf32, #tpu.memory_space<vmem>>[vector<16xi32>], vector<16xf32>,
      %parallel_loop3A_152 = math.exp %parallel_loop3A_150 : vector<16xf32>
      %parallel_loop3A_153 = arith.subf %parallel_loop3A_139, %parallel_loop3A_152 : vector<16xf32>
      %parallel_loop3A_154 = arith.subf %parallel_loop3A_150, %parallel_loop3A_151 : vector<16xf32>
      %parallel_loop3A_155 = math.exp %parallel_loop3A_154 : vector<16xf32>
      %parallel_loop3A_156 = arith.addf %parallel_loop3A_153, %parallel_loop3A_155 : vector<16xf32>
      %parallel_loop3A_157 = tpu.bitcast %parallel_loop3A_156 : vector<16xf32> -> vector<16xi32>
      %parallel_loop3A_158 = arith.constant 23 : i32
      %parallel_loop3A_159 = vector.broadcast %parallel_loop3A_158 : i32 to vector<16xi32>
      %parallel_loop3A_160 = arith.shrui %parallel_loop3A_157, %parallel_loop3A_159 : vector<16xi32>
      %parallel_loop3A_161 = arith.constant 127 : i32
      %parallel_loop3A_162 = vector.broadcast %parallel_loop3A_161 : i32 to vector<16xi32>
      %parallel_loop3A_163 = arith.subi %parallel_loop3A_160, %parallel_loop3A_162 : vector<16xi32>
      %parallel_loop3A_164 = arith.constant 8388607 : i32
      %parallel_loop3A_165 = vector.broadcast %parallel_loop3A_164 : i32 to vector<16xi32>
      %parallel_loop3A_166 = arith.andi %parallel_loop3A_157, %parallel_loop3A_165 : vector<16xi32>
      %parallel_loop3A_167 = arith.constant 1065353216 : i32
      %parallel_loop3A_168 = vector.broadcast %parallel_loop3A_167 : i32 to vector<16xi32>
      %parallel_loop3A_169 = arith.ori %parallel_loop3A_166, %parallel_loop3A_168 : vector<16xi32>
      %parallel_loop3A_170 = tpu.bitcast %parallel_loop3A_169 : vector<16xi32> -> vector<16xf32>
      %parallel_loop3A_171 = arith.constant 1.41421354 : f32
      %parallel_loop3A_172 = vector.broadcast %parallel_loop3A_171 : f32 to vector<16xf32>
      %parallel_loop3A_173 = arith.cmpf ogt, %parallel_loop3A_170, %parallel_loop3A_172 : vector<16xf32>
      %parallel_loop3A_174 = arith.constant 5.000000e-01 : f32
      %parallel_loop3A_175 = vector.broadcast %parallel_loop3A_174 : f32 to vector<16xf32>
      %parallel_loop3A_176 = arith.mulf %parallel_loop3A_170, %parallel_loop3A_175 : vector<16xf32>
      %parallel_loop3A_177 = arith.select %parallel_loop3A_173, %parallel_loop3A_176, %parallel_loop3A_170 : vector<16xi1>, vector<16xf32>
      %parallel_loop3A_178 = arith.sitofp %parallel_loop3A_163 : vector<16xi32> to vector<16xf32>
      %parallel_loop3A_179 = arith.constant 1.000000e+00 : f32
      %parallel_loop3A_180 = arith.constant 0.000000e+00 : f32
      %parallel_loop3A_181 = vector.broadcast %parallel_loop3A_179 : f32 to vector<16xf32>
      %parallel_loop3A_182 = vector.broadcast %parallel_loop3A_180 : f32 to vector<16xf32>
      %parallel_loop3A_183 = arith.select %parallel_loop3A_173, %parallel_loop3A_181, %parallel_loop3A_182 : vector<16xi1>, vector<16xf32>
      %parallel_loop3A_184 = arith.addf %parallel_loop3A_178, %parallel_loop3A_183 : vector<16xf32>
      %parallel_loop3A_185 = arith.constant 1.000000e+00 : f32
      %parallel_loop3A_186 = vector.broadcast %parallel_loop3A_185 : f32 to vector<16xf32>
      %parallel_loop3A_187 = arith.subf %parallel_loop3A_177, %parallel_loop3A_186 : vector<16xf32>
      %parallel_loop3A_188 = arith.constant 1.000000e+00 : f32
      %parallel_loop3A_189 = vector.broadcast %parallel_loop3A_188 : f32 to vector<16xf32>
      %parallel_loop3A_190 = arith.addf %parallel_loop3A_177, %parallel_loop3A_189 : vector<16xf32>
      %parallel_loop3A_191 = arith.divf %parallel_loop3A_187, %parallel_loop3A_190 : vector<16xf32>
      %parallel_loop3A_192 = arith.mulf %parallel_loop3A_191, %parallel_loop3A_191 : vector<16xf32>
      %parallel_loop3A_193 = arith.constant 0.285714298 : f32
      %parallel_loop3A_194 = vector.broadcast %parallel_loop3A_193 : f32 to vector<16xf32>
      %parallel_loop3A_195 = arith.mulf %parallel_loop3A_192, %parallel_loop3A_194 : vector<16xf32>
      %parallel_loop3A_196 = arith.constant 4.000000e-01 : f32
      %parallel_loop3A_197 = vector.broadcast %parallel_loop3A_196 : f32 to vector<16xf32>
      %parallel_loop3A_198 = arith.addf %parallel_loop3A_197, %parallel_loop3A_195 : vector<16xf32>
      %parallel_loop3A_199 = arith.mulf %parallel_loop3A_192, %parallel_loop3A_198 : vector<16xf32>
      %parallel_loop3A_200 = arith.constant 0.666666686 : f32
      %parallel_loop3A_201 = vector.broadcast %parallel_loop3A_200 : f32 to vector<16xf32>
      %parallel_loop3A_202 = arith.addf %parallel_loop3A_201, %parallel_loop3A_199 : vector<16xf32>
      %parallel_loop3A_203 = arith.mulf %parallel_loop3A_192, %parallel_loop3A_202 : vector<16xf32>
      %parallel_loop3A_204 = arith.constant 2.000000e+00 : f32
      %parallel_loop3A_205 = vector.broadcast %parallel_loop3A_204 : f32 to vector<16xf32>
      %parallel_loop3A_206 = arith.addf %parallel_loop3A_205, %parallel_loop3A_203 : vector<16xf32>
      %parallel_loop3A_207 = arith.mulf %parallel_loop3A_191, %parallel_loop3A_206 : vector<16xf32>
      %parallel_loop3A_208 = arith.constant 0.693147182 : f32
      %parallel_loop3A_209 = vector.broadcast %parallel_loop3A_208 : f32 to vector<16xf32>
      %parallel_loop3A_210 = arith.mulf %parallel_loop3A_184, %parallel_loop3A_209 : vector<16xf32>
      %parallel_loop3A_211 = arith.addf %parallel_loop3A_210, %parallel_loop3A_207 : vector<16xf32>
      %parallel_loop3A_212 = arith.subf %parallel_loop3A_211, %parallel_loop3A_150 : vector<16xf32>
      %parallel_loop3A_213 = arith.addf %parallel_loop3A_212, %parallel_loop3A_151 : vector<16xf32>
      %parallel_loop3A_214 = arith.mulf %parallel_loop3A_213, %parallel_loop3A_148 : vector<16xf32>
      %parallel_loop3A_215 = arith.addf %parallel_loop3A_124, %parallel_loop3A_214 : vector<16xf32>
      %parallel_loop3A_216 = arith.addf %parallel_loop3A_125, %parallel_loop3A_148 : vector<16xf32>
      scf.yield %parallel_loop3A_215, %parallel_loop3A_216 : vector<16xf32>, vector<16xf32>
    } {sc.loop_unroll_factor = 1 : i64, sc.parallel_access}
    %reduce_sum3A = arith.constant true
    %reduce_sum3A_106 = vector.broadcast %reduce_sum3A : i1 to vector<16xi1>
    %reduce_sum3A_107 = tpu.scan <sum>, %parallel_loop3A_105#0 masked %reduce_sum3A_106 : vector<16xf32>, vector<16xi1> -> vector<16xf32>
    %reduce_sum3A_108 = vector.extract %reduce_sum3A_107[15] : f32 from vector<16xf32>
    %reduce_sum3A_109 = arith.constant true
    %reduce_sum3A_110 = vector.broadcast %reduce_sum3A_109 : i1 to vector<16xi1>
    %reduce_sum3A_111 = tpu.scan <sum>, %parallel_loop3A_105#1 masked %reduce_sum3A_110 : vector<16xf32>, vector<16xi1> -> vector<16xf32>
    %reduce_sum3A_112 = vector.extract %reduce_sum3A_111[15] : f32 from vector<16xf32>
    %eq3A = arith.constant 0 : i32
    %eq3A_113 = vector.broadcast %eq3A : i32 to vector<16xi32>
    %eq3A_114 = arith.cmpi eq, %iota3A, %eq3A_113 : vector<16xi32>
    %eq3A_115 = arith.constant 1 : i32
    %eq3A_116 = vector.broadcast %eq3A_115 : i32 to vector<16xi32>
    %eq3A_117 = arith.cmpi eq, %iota3A, %eq3A_116 : vector<16xi32>
    %jit3A = arith.constant 0.000000e+00 : f32
    %broadcast_in_dim3A_118 = vector.broadcast %reduce_sum3A_112 : f32 to vector<16xf32>
    %broadcast_in_dim3A_119 = vector.broadcast %jit3A : f32 to vector<16xf32>
    %select_n3A = arith.select %eq3A_117, %broadcast_in_dim3A_118, %broadcast_in_dim3A_119 : vector<16xi1>, vector<16xf32>
    %broadcast_in_dim3A_120 = vector.broadcast %reduce_sum3A_108 : f32 to vector<16xf32>
    %select_n3A_121 = arith.select %eq3A_114, %broadcast_in_dim3A_120, %select_n3A : vector<16xi1>, vector<16xf32>
    %swap3A = arith.constant 0 : index
    %swap3A_122 = tpu.vector_load %arg11[%swap3A] {strides = array<i32>} : memref<16xf32, #tpu.memory_space<vmem>>, vector<16xf32>,
    tpu.vector_store %arg11[%swap3A], %select_n3A_121 {strides = array<i32>} : memref<16xf32, #tpu.memory_space<vmem>>, vector<16xf32>,
    "tpu.region"() ({
      %run_scoped3A = tpu.sem_alloc : memref<!tpu.dma_semaphore, #tpu.memory_space<semaphore_mem>>
      %dma_start3A_123 = arith.constant 0 : i32
      %dma_start3A_124 = tpu.memref_slice %arg6[%add3A, %dma_start3A_123] : memref<32x16xf32, #tpu.memory_space<hbm>> -> memref<1x16xf32, #tpu.memory_space<hbm>>
      %dma_start3A_125 = tpu.memref_squeeze %dma_start3A_124 : memref<1x16xf32, #tpu.memory_space<hbm>> -> memref<16xf32, #tpu.memory_space<hbm>>
      %dma_start3A_126 = arith.constant 0 : i32
      %dma_start3A_127 = tpu.memref_slice %arg6[%add3A, %dma_start3A_126] : memref<32x16xf32, #tpu.memory_space<hbm>> -> memref<1x16xf32, #tpu.memory_space<hbm>>
      %dma_start3A_128 = tpu.memref_squeeze %dma_start3A_127 : memref<1x16xf32, #tpu.memory_space<hbm>> -> memref<16xf32, #tpu.memory_space<hbm>>
      tpu.enqueue_dma source(%arg11 : memref<16xf32, #tpu.memory_space<vmem>>) target(%dma_start3A_128 : memref<16xf32, #tpu.memory_space<hbm>>) target_semaphore(%run_scoped3A : memref<!tpu.dma_semaphore, #tpu.memory_space<semaphore_mem>>)
      %dma_wait3A_129 = arith.constant 0 : i32
      %dma_wait3A_130 = tpu.memref_slice %arg6[%add3A, %dma_wait3A_129] : memref<32x16xf32, #tpu.memory_space<hbm>> -> memref<1x16xf32, #tpu.memory_space<hbm>>
      %dma_wait3A_131 = tpu.memref_squeeze %dma_wait3A_130 : memref<1x16xf32, #tpu.memory_space<hbm>> -> memref<16xf32, #tpu.memory_space<hbm>>
      %dma_wait3A_132 = arith.constant 0 : i32
      %dma_wait3A_133 = tpu.memref_slice %arg6[%add3A, %dma_wait3A_132] : memref<32x16xf32, #tpu.memory_space<hbm>> -> memref<1x16xf32, #tpu.memory_space<hbm>>
      %dma_wait3A_134 = tpu.memref_squeeze %dma_wait3A_133 : memref<1x16xf32, #tpu.memory_space<hbm>> -> memref<16xf32, #tpu.memory_space<hbm>>
      tpu.wait_dma2 semaphore(%run_scoped3A : memref<!tpu.dma_semaphore, #tpu.memory_space<semaphore_mem>>) src(%arg11 : memref<16xf32, #tpu.memory_space<vmem>>) dst(%dma_wait3A_134 : memref<16xf32, #tpu.memory_space<hbm>>)
      tpu.yield
    }) : () -> ()
    return
  }
}

</mosaic_0001>

<sc_bundles>
// kernel: _ldam_partials.3.cloned.1.call-start
scs
__scs_entry_jumppad:
0x0: {  	(pc) =	sbr.rel $0x88, $3  }
0x1: {  	(tag) =	ssettag $0x0;
	lr =	simm.s32 $0x1  }
0x2: {  	[smem:$0x3F9D] =	sst lr;
	_ =	strace $0xD0000000  }
0x3: {  	_ = 	snop  }
0x4: {  	_ = 	snop  }
0x5: {  	_ = 	snop  }
0x6: {  	_ = 	snop  }
0x7: {  	_ = 	snop  }
__scs_overlays_trampoline_lowered:
0x8: {  	[smem:$0x3FAC] =	sst s0  }
0x9: {  	[smem:$0x3FAD] =	sst s1  }
0xa: {  	[smem:$0x3FAE] =	sst s2  }
0xb: {  	[smem:$0x3FAF] =	sst s3  }
0xc: {  	[smem:$0x3FB0] =	sst s4  }
0xd: {  	[smem:$0x3FB1] =	sst s5  }
0xe: {  	[smem:$0x3FB2] =	sst s6  }
0xf: {  	[smem:$0x3FB3] =	sst s7  }
0x10: {  	[smem:$0x3FB4] =	sst s8  }
0x11: {  	[smem:$0x3FB5] =	sst s9;
	s0 =	simm.s32 @!p0 $0x0  }
0x12: {  	s1 =	sld [smem:$0x3F9B];
	s0 =	simm.s32 @p0 $0x1  }
0x13: {  	[smem:$0x3FB6] =	sst s0;
	s0 =	simm.s32 @!p1 $0x0  }
0x14: {  	s2 =	sld [smem:$0x3F9A];
	s0 =	simm.s32 @p1 $0x1  }
0x15: {  	[smem:$0x3FB7] =	sst s0;
	s0 =	simm.s32 @!p2 $0x0  }
0x16: {  	s3 =	sld [smem:$0x3FDB];
	s0 =	simm.s32 @p2 $0x1  }
0x17: {  	s4 =	simm.s32 $0x1BF5;
	[smem:$0x3FB9] =	sst s0  }
0x18: {  	s0 =	sld [smem:$0x3F9C];
	_ =	swait.ge [sflag:s4], $0x0  }
0x19: {  	s7 =	sld [smem:$0x3F9D]  }
0x1a: {  	s8 =	sadd.s32 $0xFFFFE003, lr  }
0x1b: {  	s9 =	sadd.s32 $0xFFFFFEF7, lr;
	s5 =	simm.s32 $0xFFFFFFFF;
	p2 =	slt.u32 s8, $0xFFFFF086  }
0x1c: {  	p1 =	slt.u32 s9, $0xF7A;
	s5 =	simm.s32 @!p2 $0x0  }
0x1d: {  	s5 =	simm.s32 @p1 $0x1;
	p0 =	seq.s32 s7, s2  }
0x1e: {  	s7 =	smul.u32 @!p0 $0xF7A, s2;
	p2 =	seq.s32 @!p0 s5, $0x0  }
0x1f: {  	s9 =	smul.u32 $0xF7A, s1;
	s8 =	simm.s32 @!p0 $0x1BF5;
	p2 =	por !p2, p0  }
0x20: {  	[sflag:s8] =	ssyncset.s32 @!p0 $0xFFFFF086;
	s6 =	sadd.s32 @!p0 s3, s7;
	s7 =	simm.s32 @!p0 $0x108  }
0x21: {  	s3 =	sadd.s32 s3, s9;
	s6 =	sadd.s32 @!p0 $0x88, s6;
	s7 =	simm.s32 @p2 $0x1082  }
0x22: {  	[simem:s7], [sflag:s8] =	dma.local @!p0 [hbm:s6], $0xF7A  }
0x23: {  	s9 =	sor.u32 $0xD0000000, s2;
	s6 =	simm.s32 $0x108;
	_ =	swait.ge @!p0 [sflag:s8], $0x0  }
0x24: {  	s3 =	sadd.s32 $0x88, s3;
	s6 =	simm.s32 @!p1 $0x1082;
	[sflag:s4] =	ssyncset.s32 $0xFFFFF086  }
0x25: {  	[simem:s6], [sflag:s4] =	dma.local [hbm:s3], $0xF7A  }
0x26: {  	[smem:$0x3F9D] =	sst s1;
	(tag) =	ssettag s2;
	_ =	strace s9  }
0x27: {  	s1 =	sld [smem:$0x3FAD]  }
0x28: {  	s2 =	sld [smem:$0x3FAE]  }
0x29: {  	s4 =	sld [smem:$0x3FB0]  }
0x2a: {  	p0 =	seq.s32 s5, $0x0;
	s5 =	sld [smem:$0x3FB1]  }
0x2b: {  	s6 =	sld [smem:$0x3FB2]  }
0x2c: {  	s7 =	sld [smem:$0x3FB3]  }
0x2d: {  	s3 =	simm.s32 $0x108;
	s8 =	sld [smem:$0x3FB4]  }
0x2e: {  	s3 =	simm.s32 @!p0 $0x1082;
	s9 =	sld [smem:$0x3FB5]  }
0x2f: {  	lr =	sadd.s32 s0, s3;
	s0 =	sld [smem:$0x3FAC]  }
0x30: {  	s3 =	sld [smem:$0x3FAF]  }
0x31: {  	[smem:$0x3FB8] =	sst s10  }
0x32: {  	s10 =	sld [smem:$0x3FB6];
	_ =	sdelay $0x3  }
0x33: {  	p0 =	seq.s32 s10, $0x1;
	s10 =	sld [smem:$0x3FB8];
	_ =	sdelay $0x3  }
0x34: {  	[smem:$0x3FB8] =	sst s10  }
0x35: {  	s10 =	sld [smem:$0x3FB7];
	_ =	sdelay $0x3  }
0x36: {  	p1 =	seq.s32 s10, $0x1;
	s10 =	sld [smem:$0x3FB8];
	_ =	sdelay $0x3  }
0x37: {  	[smem:$0x3FB8] =	sst s10  }
0x38: {  	s10 =	sld [smem:$0x3FB9]  }
0x39: {  	_ = 	snop;
	(pc) =	sbr.ind lr, $3  }
0x3a: {  	_ = 	snop  }
0x3b: {  	_ = 	snop  }
0x3c: {  	p2 =	seq.s32 s10, $0x1;
	s10 =	sld [smem:$0x3FB8]  }
0x3d: {  	_ =	shalt  }
0x3e: {  	_ =	shalt  }
0x3f: {  	_ =	shalt  }
0x40: {  	_ =	shalt  }
0x41: {  	_ =	shalt  }
0x42: {  	_ =	shalt  }
0x43: {  	_ =	shalt  }
0x44: {  	_ =	shalt  }
0x45: {  	_ =	shalt  }
0x46: {  	_ =	shalt  }
0x47: {  	_ =	shalt  }
0x48: {  	_ =	shalt  }
0x49: {  	_ =	shalt  }
0x4a: {  	_ =	shalt  }
0x4b: {  	_ =	shalt  }
0x4c: {  	_ =	shalt  }
0x4d: {  	_ =	shalt  }
0x4e: {  	_ =	shalt  }
0x4f: {  	_ =	shalt  }
0x50: {  	_ =	shalt  }
0x51: {  	_ =	shalt  }
0x52: {  	_ =	shalt  }
0x53: {  	_ =	shalt  }
0x54: {  	_ =	shalt  }
0x55: {  	_ =	shalt  }
0x56: {  	_ =	shalt  }
0x57: {  	_ =	shalt  }
0x58: {  	_ =	shalt  }
0x59: {  	_ =	shalt  }
0x5a: {  	_ =	shalt  }
0x5b: {  	_ =	shalt  }
0x5c: {  	_ =	shalt  }
0x5d: {  	_ =	shalt  }
0x5e: {  	_ =	shalt  }
0x5f: {  	_ =	shalt  }
0x60: {  	_ =	shalt  }
0x61: {  	_ =	shalt  }
0x62: {  	_ =	shalt  }
0x63: {  	_ =	shalt  }
0x64: {  	_ =	shalt  }
0x65: {  	_ =	shalt  }
0x66: {  	_ =	shalt  }
0x67: {  	_ =	shalt  }
0x68: {  	_ =	shalt  }
0x69: {  	_ =	shalt  }
0x6a: {  	_ =	shalt  }
0x6b: {  	_ =	shalt  }
0x6c: {  	_ =	shalt  }
0x6d: {  	_ =	shalt  }
0x6e: {  	_ =	shalt  }
0x6f: {  	_ =	shalt  }
0x70: {  	_ =	shalt  }
0x71: {  	_ =	shalt  }
0x72: {  	_ =	shalt  }
0x73: {  	_ =	shalt  }
0x74: {  	_ =	shalt  }
0x75: {  	_ =	shalt  }
0x76: {  	_ =	shalt  }
0x77: {  	_ =	shalt  }
0x78: {  	_ =	shalt  }
0x79: {  	_ =	shalt  }
0x7a: {  	_ =	shalt  }
0x7b: {  	_ =	shalt  }
0x7c: {  	_ =	shalt  }
0x7d: {  	_ =	shalt  }
0x7e: {  	_ =	shalt  }
0x7f: {  	_ =	shalt  }
0x80: {  	_ =	shalt  }
0x81: {  	_ =	shalt  }
0x82: {  	_ =	shalt  }
0x83: {  	_ =	shalt  }
0x84: {  	_ =	shalt  }
0x85: {  	_ =	shalt  }
0x86: {  	_ =	shalt  }
0x87: {  	_ =	shalt  }
.Lfunc_end0:
.L_simem_size_0:
called_computation_lowered:
.L_overlay_start_0:
0x88: {  	s2 =	sld [smem:$0x3FD9]  }
0x89: {  	s3 =	sld [smem:$0x3FFE];
	_ =	sdelay $0x1  }
0x8a: {  	s1 =	srdreg.scid  }
0x8b: {  	s0 =	sand.u32 $0x1, s1  }
0x8c: {  	s17 =	sshll.u32 s0, $0xA;
	s2 =	sadd.s32 s3, s2  }
0x8d: {  	s2 =	sadd.s32 s2, s17  }
0x8e: {  	[smem:$0x3FC4] =	sst s2  }
0x8f: {  	_ = 	snop  }
0x90: {  	s2 =	sld [smem:$0x3FC9]  }
0x91: {  	s18 =	sld [smem:$0x3FC8]  }
0x92: {  	s4 =	sld [smem:$0x3FC7]  }
0x93: {  	s5 =	sld [smem:$0x3FC6];
	(tm) =	ssettm $0x1  }
0x94: {  	s6 =	sld [smem:$0x3FFB];
	_ =	sdelay $0x3  }
0x95: {  	_ =	strace s6  }
0x96: {  	s6 =	sld [smem:$0x3FFC];
	_ =	sdelay $0x3  }
0x97: {  	_ =	strace s6  }
0x98: {  	s6 =	sld [smem:$0x3FFD];
	_ =	sdelay $0x3  }
0x99: {  	_ =	strace s6  }
0x9a: {  	_ =	strace $0x8FFFFFFF  }
0x9b: {  	s19 =	sld [smem:$0x3FDB];
	_ =	sdelay $0x1  }
0x9c: {  	s7 =	simm.s32 $_scs_section_size  }
0x9d: {  	s8 =	simm.s32 $_size__tile_overlayer_lowered;
	s9 =	simm.s32 $_tile_overlayer_lowered  }
0x9e: {  	s22 =	simm.s32 $0x1BFF;
	s21 =	sshll.u32 s9, $0x1;
	s6 =	sadd.s32 s7, s19  }
0x9f: {  	s10 =	simm.s32 $0x0;
	s20 =	sshll.u32 s8, $0x1;
	s8 =	sadd.s32 s21, s6  }
0xa0: {  	[timem:s10], [sflag:s22] =	dma.local [hbm:s8], s20  }
0xa1: {  	_ =	swait.ge [sflag:s22], s20  }
0xa2: {  	s7 =	ssub.s32 $0x0, s20;
	[sflag:s22] =	ssyncset.done $0x0  }
0xa3: {  	[sflag:s22] =	ssyncadd.s32 s7;
	_ =	sdelay $0x1  }
0xa4: {  	s23 =	simm.s32 $0x1B8B  }
0xa5: {  	_ =	swait.ge [sflag:s23], $0x1  }
0xa6: {  	[sflag:s23] =	ssyncset.done $0x0  }
0xa7: {  	s25 =	simm.s32 $0x1B8E;
	s24 =	sld [smem:$0x3FFE];
	[sflag:s23] =	ssyncadd.s32 $0xFFFFFFFF  }
0xa8: {  	s26 =	simm.s32 $execute0_lowered;
	[smem:$0x3FD2] =	sst s25  }
0xa9: {  	s8 =	sshll.u32 s26, $0x1;
	_ =	strace $0x80000046;
	[dreg:$0x1] =	wrdreg $0xFFFFFFFF  }
0xaa: {  	s28 =	simm.s32 $_size_execute0_lowered;
	s6 =	sadd.s32 s6, s8;
	[dreg:$0x0] =	wrdreg $0x0  }
0xab: {  	s8 =	sshll.u32 s28, $0x1;
	[dreg:$0x2] =	wrdreg s6  }
0xac: {  	[dreg:$0x3] =	wrdreg s8  }
0xad: {  	[dreg:$0x4] =	wrdreg $0xC0  }
0xae: {  	_ =	task [dreg:s10], $0x5FFFF  }
0xaf: {  	[dreg:$0x1] =	wrdreg $0xFFFFFFFF  }
0xb0: {  	[dreg:$0x0] =	wrdreg $0x60  }
0xb1: {  	[dreg:$0x2] =	wrdreg s2  }
0xb2: {  	[dreg:$0x3] =	wrdreg s18  }
0xb3: {  	[dreg:$0x4] =	wrdreg s4  }
0xb4: {  	[dreg:$0x5] =	wrdreg s5  }
0xb5: {  	[dreg:$0x6] =	wrdreg s24  }
0xb6: {  	[dreg:$0x7] =	wrdreg $0x9  }
0xb7: {  	_ =	task.clear_ibuf [dreg:s10], $0x8FFFF;
	_ =	strace $0x90000046  }
0xb8: {  	s29 =	simm.s32 $0x9;
	_ =	strace $0x80000048  }
0xb9: {  	_ =	swait.ge [sflag:s29], $0x1  }
0xba: {  	[sflag:s29] =	ssyncadd.s32 $0xFFFFFFFF  }
0xbb: {  	_ =	strace $0x90000048  }
0xbc: {  	_ =	sfence  }
0xbd: {  	s30 =	sld [smem:$0x0];
	_ =	sdelay $0x2  }
0xbe: {  	s31 =	sshll.u32 s1, $0xD;
	s1 =	sshrl.u32 s1, $0x2  }
0xbf: {  	s3 =	sand.u32 $0x4000, s31;
	s1 =	sadd.s32 s1, s30  }
0xc0: {  	s0 =	sor.u32 s3, s0;
	s1 =	sshll.u32 s1, $0x11  }
0xc1: {  	s0 =	sor.u32 s1, s0  }
0xc2: {  	s0 =	sadd.s32 $0x8F2B, s0  }
0xc3: {  	[sflag:s0] =	ssyncadd.remote.s32 $0x1  }
0xc4: {  	_ =	sfence.sel $0xFFFF  }
0xc5: {  	[dreg:$0x0] =	wrdreg $0xFFFFFFFF;
	(pc) =	sbr.abs _section_cstart, $3  }
0xc6: {  	[dreg:$0x1] =	wrdreg $0xFFFFFFFF  }
0xc7: {  	_ =	task.clear_ibuf [dreg:s10], $0x2FFFF;
	_ =	strace $0x9FFFFFFF  }
0xc8: {  	(tm) =	ssettm $0x7FFFFFFF  }
0xc9: {  	_ =	shalt  }
tec
execute0_lowered:
.L_overlay_start_1:
0x0: {  	(tag) =	ssettag $0x1  }
0x1: {  	v0 =	vimm.s32 $0xFEDCBA9  }
0x2: {  	v1 =	vimm.s32 $0x87654321;
	v2 =	vimm.s32 $0x10FEDCBA;
	v3 =	vimm.s32 $0x98765432  }
0x3: {  	v4 =	vimm.s32 $0x210FEDCB;
	v5 =	vimm.s32 $0xA9876543;
	v20 =	vlaneseq.u32  }
0x4: {  	v9 =	vimm.s32 $0x3210FEDC;
	v10 =	vimm.s32 $0xBA987654;
	v55 =	vimm.s32 $0x43210FED  }
0x5: {  	v56 =	vimm.s32 $0xCBA98765;
	v57 =	vimm.s32 $0x543210FE;
	v58 =	vimm.s32 $0xDCBA9876  }
0x6: {  	v12 =	vimm.s32 $0x6543210F;
	v13 =	vimm.s32 $0xEDCBA987;
	v17 =	vimm.s32 $0xFEDCBA98  }
0x7: {  	v19 =	vimm.s32 $0x76543210;
	v32 =	vimm.s32 $0x1C1B1A19;
	v35 =	vimm.s32 $0x101F1E1D  }
0x8: {  	v36 =	vimm.s32 $0x14131211;
	v37 =	vimm.s32 $0x18171615;
	vm0 =	vcmask $0x1F10  }
0x9: {  	v42 =	vimm.s32 $0x1D1C1B1A;
	v43 =	vimm.s32 $0x11101F1E;
	v44 =	vimm.s32 $0x15141312  }
0xa: {  	v48 =	vimm.s32 $0x19181716;
	v49 =	vimm.s32 $0x1E1D1C1B;
	v50 =	vimm.s32 $0x1211101F  }
0xb: {  	v0 =	vunpack.c.l.s4.s8 v0;
	v1 =	vunpack.c.l.s4.s8 v1;
	v2 =	vunpack.c.l.s4.s8 v2  }
0xc: {  	v3 =	vunpack.c.l.s4.s8 v3;
	v4 =	vunpack.c.l.s4.s8 v4;
	v5 =	vunpack.c.l.s4.s8 v5  }
0xd: {  	v11 =	vmul.u32 $0x80, v20;
	v9 =	vunpack.c.l.s4.s8 v9;
	v10 =	vunpack.c.l.s4.s8 v10  }
0xe: {  	v12 =	vunpack.c.l.s4.s8 v12;
	v13 =	vunpack.c.l.s4.s8 v13;
	v17 =	vunpack.c.l.s4.s8 v17  }
0xf: {  	v60 =	vunpack.c.l.s4.s8 v19;
	v45 =	vunpack.c.0.s8.s32 v42;
	v46 =	vunpack.c.0.s8.s32 v43  }
0x10: {  	v47 =	vunpack.c.0.s8.s32 v44;
	v42 =	vor.u32 $0x10, v20;
	v0 =	vunpack.c.0.s8.s32 v0  }
0x11: {  	v1 =	vunpack.c.0.s8.s32 v1;
	v2 =	vunpack.c.0.s8.s32 v2;
	v3 =	vunpack.c.0.s8.s32 v3  }
0x12: {  	v4 =	vunpack.c.0.s8.s32 v4;
	v5 =	vunpack.c.0.s8.s32 v5;
	v53 =	vunpack.c.0.s8.s32 v9  }
0x13: {  	v54 =	vunpack.c.0.s8.s32 v10;
	v9 =	vunpack.c.l.s4.s8 v56;
	v10 =	vunpack.c.l.s4.s8 v57  }
0x14: {  	[tilespmem:$0x1FE60] =	vst v11;
	v11 =	vunpack.c.l.s4.s8 v58;
	v12 =	vunpack.c.0.s8.s32 v12;
	v13 =	vunpack.c.0.s8.s32 v13  }
0x15: {  	v63 =	vunpack.c.0.s8.s32 v17;
	[tilespmem:$0x1FF90] =	vst v45;
	v56 =	vimm.s32 $0x1A191817;
	v6 =	vcombine.low v1, v0  }
0x16: {  	[tilespmem:$0x1FFA0] =	vst v46;
	v57 =	vimm.s32 $0x1F1E1D1C;
	v58 =	vunpack.c.0.s8.s32 v56;
	v7 =	vcombine.low v3, v2  }
0x17: {  	[tilespmem:$0x1FFB0] =	vst v47;
	v8 =	vcombine.low v5, v4;
	v9 =	vunpack.c.0.s8.s32 v9;
	v6 =	vand.u32 $0xF, v6  }
0x18: {  	v10 =	vunpack.c.0.s8.s32 v10;
	v14 =	vcombine.low v54, v53;
	v51 =	vand.u32 $0xF, v7;
	[tilespmem:$0x1FE70] =	vst v6  }
0x19: {  	v11 =	vunpack.c.0.s8.s32 v11;
	v18 =	vcombine.low v13, v12;
	v52 =	vand.u32 $0xF, v8;
	[tilespmem:$0x1FE80] =	vst v51  }
0x1a: {  	v0 =	vcombine.low v0, v1;
	v17 =	vand.u32 $0xF, v63;
	v14 =	vand.u32 $0xF, v14;
	[tilespmem:$0x1FE90] =	vst v52  }
0x1b: {  	v19 =	vcombine.low v53, v54;
	v39 =	vcombine.low v12, v13;
	v62 =	vand.u32 $0xF, v18;
	[tilespmem:$0x1FEA0] =	vst v14  }
0x1c: {  	v54 =	vimm.s32 $0x16151413;
	v63 =	vimm.s32 $0x1B1A1918;
	v0 =	vand.u32 $0xF, v0;
	[tilespmem:$0x1FED0] =	vst v62  }
0x1d: {  	v16 =	vcombine.low v11, v10;
	v23 =	vand.u32 $0xF, v19;
	v7 =	vunpack.c.0.s8.s32 v50;
	[tilespmem:$0x1FEF0] =	vst v0  }
0x1e: {  	v8 =	vunpack.c.l.s4.s8 v55;
	v18 =	vcombine.low v4, v5;
	v34 =	vcombine.low v10, v11;
	[tilespmem:$0x1FF20] =	vst v23  }
0x1f: {  	v4 =	vunpack.c.0.s8.s32 v36;
	v5 =	vunpack.c.0.s8.s32 v37;
	v61 =	vand.u32 $0xF, v16;
	[tilespmem:$0x1FFE0] =	vst v7  }
0x20: {  	s4 =	rddreg [dreg:$0x0];
	v55 =	vunpack.c.0.s8.s32 v54;
	v14 =	vunpack.c.0.s8.s32 v60;
	v22 =	vand.u32 $0xF, v18;
	[tilespmem:$0x1FEC0] =	vst v61  }
0x21: {  	s5 =	rddreg [dreg:$0x1];
	v0 =	vunpack.c.0.s8.s32 v32;
	v6 =	vunpack.c.0.s8.s32 v49;
	v38 =	vand.u32 $0xF, v34;
	[tilespmem:$0x1FF10] =	vst v22  }
0x22: {  	s6 =	rddreg [dreg:$0x2];
	v52 =	vsel vm0, v46, v45;
	v8 =	vunpack.c.0.s8.s32 v8;
	v41 =	vsel vm0, v5, v4;
	[tilespmem:$0x1FF40] =	vst v38  }
0x23: {  	s0 =	rddreg [dreg:$0x3];
	v16 =	vcombine.low v2, v3;
	v3 =	vunpack.c.0.s8.s32 v35;
	v2 =	vcombine.low v17, v14;
	[tilespmem:$0x1FF70] =	vst v41  }
0x24: {  	s2 =	srdreg.scid;
	s1 =	stileid.u32;
	v60 =	vimm.s32 $0x13121110;
	v62 =	vimm.s32 $0x17161514;
	[tilespmem:$0x1FFD0] =	vst v6;
	v15 =	vcombine.low v9, v8  }
0x25: {  	s7 =	rddreg [dreg:$0x4];
	s3 =	simm.s32 $0x0;
	s11 =	simm.s32 $0x10200;
	v6 =	vsel vm0, v7, v6;
	v33 =	vcombine.low v8, v9;
	v40 =	vsel vm0, v3, v0;
	[tilespmem:$0x1FEE0] =	vst v2  }
0x26: {  	s12 =	simm.s32 $0x10400;
	s13 =	simm.s32 $0x1;
	s14 =	simm.s32 $0x10480;
	v61 =	vunpack.c.0.s8.s32 v60;
	v7 =	vsel vm0, v58, v55;
	[tilespmem:$0x1FF60] =	vst v40;
	v59 =	vand.u32 $0xF, v15  }
0x27: {  	s15 =	simm.s32 $0x0;
	s8 =	sand.u32 $0x1, s2;
	s9 =	sshll.u32 s1, $0x1;
	v21 =	vand.u32 $0xF, v16;
	v2 =	vunpack.c.0.s8.s32 v48;
	v1 =	vand.u32 $0xF, v33;
	[tilespmem:$0x1FEB0] =	vst v59  }
0x28: {  	s2 =	rddreg [dreg:$0x5];
	s9 =	sor.u32 s8, s9;
	s8 =	ssub.s32 $0x2, s8;
	v37 =	vcombine.low v7, v6;
	v51 =	vcombine.low v41, v40;
	v40 =	vsel vm0, v4, v3;
	[tilespmem:$0x1FF30] =	vst v1  }
0x29: {  	[smem:$0x7FF] =	sst s3;
	s10 =	sshll.u32 s9, $0x4;
	s30 =	sshrl.u32 s8, $0x1;
	v41 =	vsel vm0, v0, v5;
	v1 =	vand.u32 $0xF, v39;
	[tilespmem:$0x1FFC0] =	vst v2;
	v53 =	vsel vm0, v2, v47  }
0x2a: {  	s31 =	sshll.u32 s9, $0xD;
	s9 =	sshll.u32 s9, $0x6;
	s7 =	sadd.s32 s10, s7;
	v31 =	vmovc v58;
	v30 =	vmovc v55;
	v59 =	vunpack.c.0.s8.s32 v57;
	v2 =	vunpack.c.0.s8.s32 v63;
	[tilespmem:$0x1FF50] =	vst v1;
	v1 =	vunpack.c.0.s8.s32 v62  }
0x2b: {  	vm1 =	vcmask $0x704;
	s8 =	ssub.s32 s8, s30;
	s4 =	sadd.s32 s4, s31;
	s5 =	sadd.s32 s5, s9;
	v28 =	vmovc v52;
	v27 =	vmovc v6;
	[tilespmem:$0x1FF00] =	vst v21;
	v44 =	vcombine.low v41, v40;
	v8 =	vcombine.low v53, v52  }
0x2c: {  	vm2 =	vcmask $0x3F04;
	s6 =	sadd.s32 s6, s9;
	s9 =	simm.s32 $0x10000;
	s10 =	simm.s32 $0x2;
	v34 =	vmovc v7;
	[tilespmem:$0x1FF80] =	vst v51;
	v29 =	vmovc v53;
	v38 =	vsel vm0, v61, v59;
	v39 =	vsel vm0, v2, v1  }
0x2d: {  	s7 =	sadd.s32 $0x400, s7;
	s8 =	smax.u32 s8, $0x1;
	v33 =	vmovc v61;
	_ =	strace $0x80000047;
	v32 =	vmovc v59;
	v36 =	vmov v2;
	[tilespmem:$0x1FFF0] =	vst v8;
	v35 =	vmov v1;
	v43 =	vcombine.low v39, v38  }
.LBB2_1:
0x2e: {  	[tilespmem:s3], [sflag:$0x1] =	stream.linear.gather [hbm4b:s4+s3], $0x10000, $0x38;
	[tilespmem:$0x10500] =	vst v63  }
0x2f: {  	_ = 	snop  }
0x30: {  	[tilespmem:s9], [sflag:$0x2] =	stream.linear.gather [hbm4b:s5+s3], $0x200, $0x38;
	[tilespmem:$0x10500] =	vst v63  }
0x31: {  	_ =	swait.ge [sflag:s10], $0x200  }
0x32: {  	[sflag:s10] =	ssyncset.done $0x0  }
0x33: {  	[sflag:s10] =	ssyncadd.s32 $0xFFFFFE00  }
0x34: {  	[tilespmem:s11], [sflag:$0x2] =	stream.linear.gather [hbm4b:s6+s3], $0x200, $0x38;
	[tilespmem:$0x10500] =	vst v63  }
0x35: {  	_ =	swait.ge [sflag:s10], $0x200  }
0x36: {  	[sflag:s10] =	ssyncset.done $0x0  }
0x37: {  	[sflag:s10] =	ssyncadd.s32 $0xFFFFFE00  }
0x38: {  	[tilespmem:s12], [sflag:$0x2] =	stream.linear.gather [hbm4b:s0+s3], $0x80, $0x38;
	[tilespmem:$0x10500] =	vst v63  }
0x39: {  	_ =	swait.ge [sflag:s10], $0x80  }
0x3a: {  	[sflag:s10] =	ssyncset.done $0x0  }
0x3b: {  	[sflag:s10] =	ssyncadd.s32 $0xFFFFFF80  }
0x3c: {  	_ =	swait.ge [sflag:s13], $0x10000  }
0x3d: {  	[sflag:s13] =	ssyncset.done $0x0  }
0x3e: {  	v46 =	vimm.f32 $0.0e+00;
	v47 =	vimm.f32 $0.0e+00;
	s16 =	simm.s32 $0x0;
	[sflag:s13] =	ssyncadd.s32 $0xFFFF0000  }
.LBB2_2:
0x3f: {  	v1 =	vld [tilespmem:$0x1FE60];
	_ =	sdelay $0x1  }
0x40: {  	s17 =	sshll.u32 s16, $0x4;
	v2 =	vld [tilespmem:$0x1FE80]  }
0x41: {  	v0 =	vmov s17  }
0x42: {  	v0 =	vshll.u32 v0, $0x7  }
0x43: {  	v48 =	vor.u32 v1, v0;
	v1 =	vld [tilespmem:$0x1FE70];
	_ =	sdelay $0x1  }
0x44: {  	v4 =	vor.u32 v2, v48;
	v2 =	vld [tilespmem:$0x1FE90]  }
0x45: {  	v0 =	vlaneseq.u32  }
0x46: {  	s19 =	simm.s32 $0x0;
	v10 =	vor.u32 v0, v48  }
0x47: {  	v0 =	vor.u32 s19, v10;
	v7 =	vor.u32 v1, v48  }
0x48: {  	v1 =	vor.u32 s19, v7  }
0x49: {  	v5 =	vor.u32 s19, v4;
	v3 =	vor.u32 v2, v48  }
0x4a: {  	v6 =	vor.u32 s19, v3  }
0x4b: {  	v2 =	vld [tilespmem:$0x1FEA0]  }
0x4c: {  	v0 =	vld.idx.msk [tilespmem:v0+s3+$0x0], $0xffff  }
0x4d: {  	v1 =	vld.idx.msk [tilespmem:v1+s3+$0x0], $0xffff  }
0x4e: {  	v5 =	vld.idx.msk [tilespmem:v5+s3+$0x0], $0xffff  }
0x4f: {  	v6 =	vld.idx.msk [tilespmem:v6+s3+$0x0], $0xffff;
	_ =	sdelay $0x1  }
0x50: {  	v9 =	vld [tilespmem:$0x1FEB0];
	v0 =	vmul.f32 $1.442695020e+00, v0  }
0x51: {  	v11 =	vld [tilespmem:$0x1FEC0];
	v2 =	vor.u32 v2, v48;
	v1 =	vmul.f32 $1.442695020e+00, v1  }
0x52: {  	v8 =	vor.u32 s19, v2;
	v5 =	vmul.f32 $1.442695020e+00, v5;
	(erf) = vpow2.f32 v0;
	v0 =	vld [tilespmem:$0x1FED0]  }
0x53: {  	v6 =	vmul.f32 $1.442695020e+00, v6;
	(erf) = vpow2.f32 v1  }
0x54: {  	(erf) = vpow2.f32 v5  }
0x55: {  	(erf) = vpow2.f32 v6;
	v6 =	vld [tilespmem:$0x1FF00]  }
0x56: {  	v45 =	vor.u32 v9, v48;
	v1 =	vld [tilespmem:$0x1FEE0]  }
0x57: {  	v63 =	vor.u32 v11, v48;
	v9 =	vor.u32 s19, v45;
	v62 =	vor.u32 v0, v48;
	v0 =	vld.idx.msk [tilespmem:v8+s3+$0x0], $0xffff  }
0x58: {  	v11 =	vor.u32 s19, v63;
	v5 =	vld [tilespmem:$0x1FEF0];
	_ =	sdelay $0x1  }
0x59: {  	v8 =	vor.u32 s19, v62;
	v56 =	vor.u32 v6, v48;
	v6 =	vld [tilespmem:$0x1FF10];
	_ =	sdelay $0x1  }
0x5a: {  	v60 =	vor.u32 v1, v48;
	v1 =	vld.idx.msk [tilespmem:v9+s3+$0x0], $0xffff;
	v0 =	vmul.f32 $1.442695020e+00, v0  }
0x5b: {  	v58 =	vor.u32 v5, v48;
	v5 =	vld.idx.msk [tilespmem:v11+s3+$0x0], $0xffff  }
0x5c: {  	(erf) = vpow2.f32 v0;
	v0 =	vld [tilespmem:$0x1FF20]  }
0x5d: {  	v50 =	vor.u32 v6, v48;
	v6 =	vld.idx.msk [tilespmem:v8+s3+$0x0], $0xffff;
	_ =	sdelay $0x1  }
0x5e: {  	v9 =	vor.u32 s19, v60;
	v1 =	vmul.f32 $1.442695020e+00, v1  }
0x5f: {  	v11 =	vor.u32 s19, v58;
	v5 =	vmul.f32 $1.442695020e+00, v5;
	v8 =	vor.u32 s19, v56  }
0x60: {  	v13 =	vpop (erf);
	(erf) = vpow2.f32 v1;
	v1 =	vld [tilespmem:$0x1FF30];
	v49 =	vor.u32 v0, v48;
	v0 =	vimm.f32 $0.0e+00  }
0x61: {  	(erf) = vpow2.f32 v5;
	v5 =	vld [tilespmem:$0x1FF40];
	v0 =	vadd.f32 v13, v0;
	v6 =	vmul.f32 $1.442695020e+00, v6  }
0x62: {  	v13 =	vpop (erf)  }
0x63: {  	v12 =	vor.u32 s19, v50;
	v0 =	vadd.f32 v13, v0;
	v13 =	vpop (erf);
	(erf) = vpow2.f32 v6;
	v6 =	vld [tilespmem:$0x1FF50]  }
0x64: {  	v9 =	vld.idx.msk [tilespmem:v9+s3+$0x0], $0xffff  }
0x65: {  	v51 =	vor.u32 v1, v48;
	v1 =	vld.idx.msk [tilespmem:v11+s3+$0x0], $0xffff  }
0x66: {  	v53 =	vor.u32 v5, v48;
	v5 =	vld.idx.msk [tilespmem:v8+s3+$0x0], $0xffff;
	v0 =	vadd.f32 v13, v0  }
0x67: {  	v13 =	vpop (erf)  }
0x68: {  	v0 =	vadd.f32 v13, v0;
	v54 =	vor.u32 v6, v48;
	v6 =	vld.idx.msk [tilespmem:v12+s3+$0x0], $0xffff  }
0x69: {  	v9 =	vmul.f32 $1.442695020e+00, v9;
	v13 =	vpop (erf)  }
0x6a: {  	v1 =	vmul.f32 $1.442695020e+00, v1;
	v0 =	vadd.f32 v13, v0  }
0x6b: {  	(erf) = vpow2.f32 v9;
	v13 =	vpop (erf);
	v5 =	vmul.f32 $1.442695020e+00, v5  }
0x6c: {  	v11 =	vor.u32 s19, v49;
	(erf) = vpow2.f32 v1;
	v1 =	vld [tilespmem:$0x1FF80];
	v0 =	vadd.f32 v13, v0  }
0x6d: {  	v8 =	vor.u32 s19, v51;
	v13 =	vpop (erf);
	(erf) = vpow2.f32 v5;
	v5 =	vld [tilespmem:$0x1FFF0];
	v6 =	vmul.f32 $1.442695020e+00, v6  }
0x6e: {  	v12 =	vor.u32 s19, v53;
	v0 =	vadd.f32 v13, v0;
	v13 =	vld [tilespmem:$0x1FFB0]  }
0x6f: {  	(erf) = vpow2.f32 v6;
	v6 =	vld [tilespmem:$0x1FFA0]  }
0x70: {  	v14 =	vld [tilespmem:$0x1FFC0]  }
0x71: {  	v9 =	vld.idx.msk [tilespmem:v11+s3+$0x0], $0xffff  }
0x72: {  	v55 =	vor.u32 v42, v48;
	v57 =	vor.u32 v1, v48;
	v1 =	vld.idx.msk [tilespmem:v8+s3+$0x0], $0xffff  }
0x73: {  	v8 =	vor.u32 s19, v55;
	v59 =	vor.u32 v5, v48;
	v5 =	vld.idx.msk [tilespmem:v12+s3+$0x0], $0xffff  }
0x74: {  	v11 =	vor.u32 s19, v54;
	v13 =	vsel vm0, v13, v6;
	v6 =	vld [tilespmem:$0x1FF90];
	_ =	sdelay $0x1  }
0x75: {  	v9 =	vmul.f32 $1.442695020e+00, v9  }
0x76: {  	v15 =	vpop (erf);
	v1 =	vmul.f32 $1.442695020e+00, v1  }
0x77: {  	v15 =	vadd.f32 v15, v0;
	(erf) = vpow2.f32 v9;
	v8 =	vld.idx.msk [tilespmem:v8+s3+$0x0], $0xffff;
	v5 =	vmul.f32 $1.442695020e+00, v5  }
0x78: {  	v17 =	vpop (erf);
	(erf) = vpow2.f32 v1;
	v14 =	vsel vm0, v6, v14;
	v6 =	vld.idx.msk [tilespmem:v11+s3+$0x0], $0xffff  }
0x79: {  	v15 =	vadd.f32 v17, v15;
	v17 =	vpop (erf);
	(erf) = vpow2.f32 v5;
	v5 =	vld [tilespmem:$0x1FFE0]  }
0x7a: {  	v12 =	vor.u32 s19, v57  }
0x7b: {  	v52 =	vor.u32 v37, v48;
	v15 =	vadd.f32 v17, v15  }
0x7c: {  	v20 =	vsel vm0, v32, v36;
	v16 =	vor.u32 s19, v52;
	v19 =	vpop (erf)  }
0x7d: {  	v15 =	vadd.f32 v19, v15;
	v9 =	vcombine.low v14, v13;
	v6 =	vmul.f32 $1.442695020e+00, v6  }
0x7e: {  	v8 =	vmul.f32 $1.442695020e+00, v8;
	v11 =	vor.u32 s19, v59;
	v17 =	vsel vm0, v30, v5;
	v5 =	vld [tilespmem:$0x1FFD0]  }
0x7f: {  	v19 =	vsel vm0, v35, v33;
	v61 =	vor.u32 v9, v48;
	v9 =	vld.idx.msk [tilespmem:v12+s3+$0x0], $0xffff;
	(erf) = vpow2.f32 v6  }
0x80: {  	v21 =	vpop (erf);
	(erf) = vpow2.f32 v8;
	v8 =	vcombine.low v20, v19;
	v19 =	vld [tilespmem:$0x1FF60]  }
0x81: {  	v0 =	vor.u32 v43, v48;
	v20 =	vld [tilespmem:$0x1FF70]  }
0x82: {  	v1 =	vor.u32 v44, v48;
	v12 =	vor.u32 s19, v0  }
0x83: {  	v18 =	vsel vm0, v5, v31;
	v5 =	vld.idx.msk [tilespmem:v11+s3+$0x0], $0xffff;
	v11 =	vor.u32 s19, v1  }
0x84: {  	v16 =	vld.idx.msk [tilespmem:v16+s3+$0x0], $0xffff  }
0x85: {  	v15 =	vadd.f32 v21, v15;
	v9 =	vmul.f32 $1.442695020e+00, v9  }
0x86: {  	v19 =	vcombine.low v19, v20;
	v20 =	vpop (erf)  }
0x87: {  	v6 =	vcombine.low v18, v17;
	v12 =	vld.idx.msk [tilespmem:v12+s3+$0x0], $0xffff;
	(erf) = vpow2.f32 v9;
	v15 =	vadd.f32 v20, v15  }
0x88: {  	v9 =	vor.u32 s19, v61;
	v20 =	vmul.f32 $1.442695020e+00, v5;
	v5 =	vor.u32 v19, v48;
	v19 =	vld.idx.msk [tilespmem:v11+s3+$0x0], $0xffff;
	v11 =	vpop (erf)  }
0x89: {  	v6 =	vor.u32 v6, v48;
	v11 =	vadd.f32 v11, v15;
	v15 =	vmul.f32 $1.442695020e+00, v16  }
0x8a: {  	(erf) = vpow2.f32 v20;
	v20 =	vor.u32 s19, v6  }
0x8b: {  	v8 =	vor.u32 v8, v48;
	v16 =	vcombine.low v28, v29;
	v22 =	vpop (erf)  }
0x8c: {  	v21 =	vor.u32 s19, v8;
	v12 =	vmul.f32 $1.442695020e+00, v12;
	v22 =	vadd.f32 v22, v11  }
0x8d: {  	(erf) = vpow2.f32 v15;
	v11 =	vor.u32 v16, v48;
	v16 =	vor.u32 s19, v5;
	v23 =	vld.idx.msk [tilespmem:v9+s3+$0x0], $0xffff;
	v15 =	vpop (erf)  }
0x8e: {  	(erf) = vpow2.f32 v12;
	v12 =	vcombine.low v27, v34;
	v9 =	vadd.f32 v15, v22  }
0x8f: {  	v15 =	vmul.f32 $1.442695020e+00, v19;
	v19 =	vcombine.low v38, v39;
	v24 =	vpop (erf);
	v20 =	vld.idx.msk [tilespmem:v20+s3+$0x0], $0xffff  }
0x90: {  	v25 =	vcombine.low v40, v41;
	v22 =	vor.u32 s19, v11;
	v24 =	vadd.f32 v24, v9  }
0x91: {  	(erf) = vpow2.f32 v15;
	v15 =	vor.u32 v12, v48;
	v12 =	vor.u32 v19, v48;
	v19 =	vld.idx.msk [tilespmem:v21+s3+$0x0], $0xffff  }
0x92: {  	v21 =	vpop (erf);
	v9 =	vor.u32 v25, v48;
	v23 =	vmul.f32 $1.442695020e+00, v23;
	v25 =	vor.u32 s19, v15  }
0x93: {  	v13 =	vcombine.low v13, v14;
	v16 =	vld.idx.msk [tilespmem:v16+s3+$0x0], $0xffff;
	v21 =	vadd.f32 v21, v24  }
0x94: {  	v24 =	vor.u32 s19, v12;
	v14 =	vpop (erf);
	(erf) = vpow2.f32 v23;
	v20 =	vmul.f32 $1.442695020e+00, v20  }
0x95: {  	v17 =	vcombine.low v17, v18;
	v22 =	vld.idx.msk [tilespmem:v22+s3+$0x0], $0xffff;
	v18 =	vadd.f32 v14, v21;
	v21 =	vor.u32 s19, v9  }
0x96: {  	v14 =	vor.u32 v13, v48;
	v26 =	vmul.f32 $1.442695020e+00, v19;
	(erf) = vpow2.f32 v20  }
0x97: {  	v23 =	vpop (erf);
	v13 =	vor.u32 v17, v48;
	v19 =	vor.u32 s19, v14;
	v17 =	vld.idx.msk [tilespmem:v25+s3+$0x0], $0xffff  }
0x98: {  	v23 =	vadd.f32 v23, v18;
	v25 =	vmul.f32 $1.442695020e+00, v16;
	(erf) = vpow2.f32 v26  }
0x99: {  	v20 =	vor.u32 s19, v13;
	v16 =	vpop (erf);
	v18 =	vld.idx.msk [tilespmem:v24+s3+$0x0], $0xffff  }
0x9a: {  	s18 =	simm.s32 $0x20;
	v23 =	vadd.f32 v16, v23;
	v22 =	vmul.f32 $1.442695020e+00, v22;
	(erf) = vpow2.f32 v25  }
0x9b: {  	s19 =	simm.s32 $0x40;
	v16 =	vld.idx.msk [tilespmem:v21+s3+$0x0], $0xffff;
	v21 =	vor.u32 s18, v10;
	v24 =	vpop (erf)  }
.LBB2_3:
0x9c: {  	p0 =	sne.s32 s19, $0x60;
	v23 =	vadd.f32 v24, v23;
	v17 =	vmul.f32 $1.442695020e+00, v17;
	v19 =	vld.idx.msk [tilespmem:v19+s3+$0x0], $0xffff;
	(erf) = vpow2.f32 v22  }
0x9d: {  	v22 =	vor.u32 s18, v7;
	v24 =	vpop (erf)  }
0x9e: {  	v18 =	vmul.f32 $1.442695020e+00, v18;
	v23 =	vadd.f32 v24, v23;
	v20 =	vld.idx.msk [tilespmem:v20+s3+$0x0], $0xffff;
	(erf) = vpow2.f32 v17  }
0x9f: {  	v17 =	vor.u32 s18, v4;
	v24 =	vpop (erf)  }
0xa0: {  	v16 =	vmul.f32 $1.442695020e+00, v16;
	v21 =	vld.idx.msk [tilespmem:v21+s3+$0x0], $0xffff;
	v23 =	vadd.f32 v24, v23;
	(erf) = vpow2.f32 v18  }
0xa1: {  	v18 =	vor.u32 s18, v3;
	v24 =	vpop (erf)  }
0xa2: {  	v19 =	vmul.f32 $1.442695020e+00, v19;
	v22 =	vld.idx.msk [tilespmem:v22+s3+$0x0], $0xffff;
	v23 =	vadd.f32 v24, v23;
	(erf) = vpow2.f32 v16  }
0xa3: {  	v16 =	vor.u32 s18, v2;
	v24 =	vpop (erf)  }
0xa4: {  	v20 =	vmul.f32 $1.442695020e+00, v20;
	v17 =	vld.idx.msk [tilespmem:v17+s3+$0x0], $0xffff;
	v23 =	vadd.f32 v24, v23;
	(erf) = vpow2.f32 v19  }
0xa5: {  	v19 =	vor.u32 s18, v45;
	v24 =	vpop (erf)  }
0xa6: {  	v21 =	vmul.f32 $1.442695020e+00, v21;
	v18 =	vld.idx.msk [tilespmem:v18+s3+$0x0], $0xffff;
	v23 =	vadd.f32 v24, v23;
	(erf) = vpow2.f32 v20  }
0xa7: {  	v20 =	vor.u32 s18, v63;
	v24 =	vpop (erf)  }
0xa8: {  	v22 =	vmul.f32 $1.442695020e+00, v22;
	v16 =	vld.idx.msk [tilespmem:v16+s3+$0x0], $0xffff;
	(erf) = vpow2.f32 v21;
	v21 =	vadd.f32 v24, v23  }
0xa9: {  	v23 =	vor.u32 s18, v62;
	v24 =	vpop (erf)  }
0xaa: {  	v17 =	vmul.f32 $1.442695020e+00, v17;
	v19 =	vld.idx.msk [tilespmem:v19+s3+$0x0], $0xffff;
	(erf) = vpow2.f32 v22;
	v21 =	vadd.f32 v24, v21  }
0xab: {  	v22 =	vor.u32 s18, v60;
	v24 =	vpop (erf)  }
0xac: {  	v18 =	vmul.f32 $1.442695020e+00, v18;
	v20 =	vld.idx.msk [tilespmem:v20+s3+$0x0], $0xffff;
	(erf) = vpow2.f32 v17;
	v17 =	vadd.f32 v24, v21  }
0xad: {  	v21 =	vor.u32 s18, v58;
	v24 =	vpop (erf)  }
0xae: {  	v16 =	vmul.f32 $1.442695020e+00, v16;
	v23 =	vld.idx.msk [tilespmem:v23+s3+$0x0], $0xffff;
	(erf) = vpow2.f32 v18;
	v17 =	vadd.f32 v24, v17  }
0xaf: {  	v18 =	vor.u32 s18, v56;
	v24 =	vpop (erf)  }
0xb0: {  	v19 =	vmul.f32 $1.442695020e+00, v19;
	v22 =	vld.idx.msk [tilespmem:v22+s3+$0x0], $0xffff;
	(erf) = vpow2.f32 v16;
	v16 =	vadd.f32 v24, v17  }
0xb1: {  	v17 =	vor.u32 s18, v50;
	v24 =	vpop (erf)  }
0xb2: {  	v20 =	vmul.f32 $1.442695020e+00, v20;
	v16 =	vadd.f32 v24, v16;
	v21 =	vld.idx.msk [tilespmem:v21+s3+$0x0], $0xffff;
	(erf) = vpow2.f32 v19  }
0xb3: {  	v19 =	vor.u32 s18, v49;
	v24 =	vpop (erf)  }
0xb4: {  	v23 =	vmul.f32 $1.442695020e+00, v23;
	v16 =	vadd.f32 v24, v16;
	v18 =	vld.idx.msk [tilespmem:v18+s3+$0x0], $0xffff;
	(erf) = vpow2.f32 v20  }
0xb5: {  	v20 =	vor.u32 s18, v51;
	v24 =	vpop (erf)  }
0xb6: {  	v22 =	vmul.f32 $1.442695020e+00, v22;
	v16 =	vadd.f32 v24, v16;
	v17 =	vld.idx.msk [tilespmem:v17+s3+$0x0], $0xffff;
	(erf) = vpow2.f32 v23  }
0xb7: {  	v23 =	vor.u32 s18, v53;
	v24 =	vpop (erf)  }
0xb8: {  	v21 =	vmul.f32 $1.442695020e+00, v21;
	v16 =	vadd.f32 v24, v16;
	v19 =	vld.idx.msk [tilespmem:v19+s3+$0x0], $0xffff;
	(erf) = vpow2.f32 v22  }
0xb9: {  	v22 =	vor.u32 s18, v54;
	v24 =	vpop (erf)  }
0xba: {  	v18 =	vmul.f32 $1.442695020e+00, v18;
	v16 =	vadd.f32 v24, v16;
	v20 =	vld.idx.msk [tilespmem:v20+s3+$0x0], $0xffff;
	(erf) = vpow2.f32 v21  }
0xbb: {  	v21 =	vor.u32 s18, v55;
	v24 =	vpop (erf)  }
0xbc: {  	v17 =	vmul.f32 $1.442695020e+00, v17;
	v16 =	vadd.f32 v24, v16;
	v23 =	vld.idx.msk [tilespmem:v23+s3+$0x0], $0xffff;
	(erf) = vpow2.f32 v18  }
0xbd: {  	v18 =	vor.u32 s18, v57;
	v24 =	vpop (erf)  }
0xbe: {  	v19 =	vmul.f32 $1.442695020e+00, v19;
	v16 =	vadd.f32 v24, v16;
	v22 =	vld.idx.msk [tilespmem:v22+s3+$0x0], $0xffff;
	(erf) = vpow2.f32 v17  }
0xbf: {  	v17 =	vor.u32 s18, v59;
	v24 =	vpop (erf)  }
0xc0: {  	v20 =	vmul.f32 $1.442695020e+00, v20;
	v16 =	vadd.f32 v24, v16;
	v21 =	vld.idx.msk [tilespmem:v21+s3+$0x0], $0xffff;
	(erf) = vpow2.f32 v19  }
0xc1: {  	v19 =	vor.u32 s18, v52;
	v24 =	vpop (erf)  }
0xc2: {  	v23 =	vmul.f32 $1.442695020e+00, v23;
	v16 =	vadd.f32 v24, v16;
	v18 =	vld.idx.msk [tilespmem:v18+s3+$0x0], $0xffff;
	(erf) = vpow2.f32 v20  }
0xc3: {  	v20 =	vor.u32 s18, v0;
	v24 =	vpop (erf)  }
0xc4: {  	v22 =	vmul.f32 $1.442695020e+00, v22;
	v16 =	vadd.f32 v24, v16;
	v17 =	vld.idx.msk [tilespmem:v17+s3+$0x0], $0xffff;
	(erf) = vpow2.f32 v23  }
0xc5: {  	v23 =	vor.u32 s18, v1;
	v24 =	vpop (erf)  }
0xc6: {  	v21 =	vmul.f32 $1.442695020e+00, v21;
	v16 =	vadd.f32 v24, v16;
	v19 =	vld.idx.msk [tilespmem:v19+s3+$0x0], $0xffff;
	(erf) = vpow2.f32 v22  }
0xc7: {  	v22 =	vor.u32 s18, v61;
	v24 =	vpop (erf)  }
0xc8: {  	v18 =	vmul.f32 $1.442695020e+00, v18;
	v16 =	vadd.f32 v24, v16;
	v20 =	vld.idx.msk [tilespmem:v20+s3+$0x0], $0xffff;
	(erf) = vpow2.f32 v21  }
0xc9: {  	v21 =	vor.u32 s18, v6;
	v24 =	vpop (erf)  }
0xca: {  	v17 =	vmul.f32 $1.442695020e+00, v17;
	v16 =	vadd.f32 v24, v16;
	v23 =	vld.idx.msk [tilespmem:v23+s3+$0x0], $0xffff;
	(erf) = vpow2.f32 v18  }
0xcb: {  	v18 =	vor.u32 s18, v8;
	v24 =	vpop (erf)  }
0xcc: {  	v19 =	vmul.f32 $1.442695020e+00, v19;
	v16 =	vadd.f32 v24, v16;
	v22 =	vld.idx.msk [tilespmem:v22+s3+$0x0], $0xffff;
	(erf) = vpow2.f32 v17  }
0xcd: {  	v17 =	vor.u32 s18, v5;
	v24 =	vpop (erf)  }
0xce: {  	v20 =	vmul.f32 $1.442695020e+00, v20;
	v16 =	vadd.f32 v24, v16;
	v21 =	vld.idx.msk [tilespmem:v21+s3+$0x0], $0xffff;
	(erf) = vpow2.f32 v19  }
0xcf: {  	v19 =	vor.u32 s18, v11;
	v24 =	vpop (erf)  }
0xd0: {  	v23 =	vmul.f32 $1.442695020e+00, v23;
	v16 =	vadd.f32 v24, v16;
	v18 =	vld.idx.msk [tilespmem:v18+s3+$0x0], $0xffff;
	(erf) = vpow2.f32 v20  }
0xd1: {  	v20 =	vor.u32 s18, v15;
	v24 =	vpop (erf)  }
0xd2: {  	v22 =	vmul.f32 $1.442695020e+00, v22;
	v16 =	vadd.f32 v24, v16;
	v24 =	vld.idx.msk [tilespmem:v17+s3+$0x0], $0xffff;
	(erf) = vpow2.f32 v23  }
0xd3: {  	v23 =	vor.u32 s18, v12;
	v17 =	vpop (erf)  }
0xd4: {  	v21 =	vmul.f32 $1.442695020e+00, v21;
	v16 =	vadd.f32 v17, v16;
	v25 =	vld.idx.msk [tilespmem:v19+s3+$0x0], $0xffff;
	(erf) = vpow2.f32 v22  }
0xd5: {  	v26 =	vor.u32 s18, v9;
	v17 =	vpop (erf);
	v22 =	vmul.f32 $1.442695020e+00, v18  }
0xd6: {  	v16 =	vadd.f32 v17, v16;
	v17 =	vld.idx.msk [tilespmem:v20+s3+$0x0], $0xffff;
	(erf) = vpow2.f32 v21  }
.Ltmp0:
0xd7: {  	v19 =	vor.u32 s18, v14;
	v18 =	vpop (erf);
	(pc) =	sbr.rel @p0 .LBB2_3-.Ltmp0, $4  }
0xd8: {  	v21 =	vmul.f32 $1.442695020e+00, v24;
	v16 =	vadd.f32 v18, v16;
	v18 =	vld.idx.msk [tilespmem:v23+s3+$0x0], $0xffff;
	(erf) = vpow2.f32 v22  }
0xd9: {  	v20 =	vor.u32 s18, v13;
	s18 =	smov.u32 s19;
	v22 =	vpop (erf)  }
0xda: {  	v23 =	vadd.f32 v22, v16;
	v22 =	vmul.f32 $1.442695020e+00, v25;
	v16 =	vld.idx.msk [tilespmem:v26+s3+$0x0], $0xffff;
	(erf) = vpow2.f32 v21  }
0xdb: {  	s19 =	sadd.s32 $0x20, s19;
	v21 =	vor.u32 s18, v10;
	v24 =	vpop (erf)  }
0xdc: {  	_ =	sdelay $0x2  }
0xdd: {  	v10 =	vadd.f32 v24, v23;
	v17 =	vmul.f32 $1.442695020e+00, v17;
	(erf) = vpow2.f32 v22  }
0xde: {  	v19 =	vld.idx.msk [tilespmem:v19+s3+$0x0], $0xffff;
	v7 =	vor.u32 s18, v7;
	v22 =	vpop (erf)  }
0xdf: {  	v18 =	vmul.f32 $1.442695020e+00, v18;
	v10 =	vadd.f32 v22, v10;
	(erf) = vpow2.f32 v17  }
0xe0: {  	v4 =	vor.u32 s18, v4;
	v17 =	vld.idx.msk [tilespmem:v20+s3+$0x0], $0xffff;
	v20 =	vpop (erf)  }
0xe1: {  	v16 =	vmul.f32 $1.442695020e+00, v16;
	(erf) = vpow2.f32 v18;
	v10 =	vadd.f32 v20, v10  }
0xe2: {  	v3 =	vor.u32 s18, v3;
	v18 =	vld.idx.msk [tilespmem:v21+s3+$0x0], $0xffff;
	v20 =	vpop (erf)  }
0xe3: {  	v19 =	vmul.f32 $1.442695020e+00, v19;
	(erf) = vpow2.f32 v16;
	v10 =	vadd.f32 v20, v10  }
0xe4: {  	v2 =	vor.u32 s18, v2;
	v7 =	vld.idx.msk [tilespmem:v7+s3+$0x0], $0xffff;
	v22 =	vpop (erf)  }
0xe5: {  	v4 =	vld.idx.msk [tilespmem:v4+s3+$0x0], $0xffff;
	v23 =	vmul.f32 $1.442695020e+00, v17;
	(erf) = vpow2.f32 v19;
	v10 =	vadd.f32 v22, v10  }
0xe6: {  	v17 =	vor.u32 s18, v45;
	v21 =	vpop (erf)  }
0xe7: {  	v3 =	vld.idx.msk [tilespmem:v3+s3+$0x0], $0xffff;
	v18 =	vmul.f32 $1.442695020e+00, v18;
	(erf) = vpow2.f32 v23;
	v10 =	vadd.f32 v21, v10  }
0xe8: {  	v16 =	vor.u32 s18, v63;
	v22 =	vpop (erf)  }
0xe9: {  	v2 =	vld.idx.msk [tilespmem:v2+s3+$0x0], $0xffff;
	v7 =	vmul.f32 $1.442695020e+00, v7;
	(erf) = vpow2.f32 v18;
	v10 =	vadd.f32 v22, v10  }
0xea: {  	v4 =	vmul.f32 $1.442695020e+00, v4;
	v23 =	vpop (erf)  }
0xeb: {  	v18 =	vor.u32 s18, v62;
	(erf) = vpow2.f32 v7;
	v45 =	vadd.f32 v23, v10  }
0xec: {  	v3 =	vmul.f32 $1.442695020e+00, v3;
	v10 =	vld.idx.msk [tilespmem:v17+s3+$0x0], $0xffff;
	v63 =	vpop (erf)  }
0xed: {  	v62 =	vor.u32 s18, v60;
	(erf) = vpow2.f32 v4;
	v21 =	vadd.f32 v63, v45  }
0xee: {  	v2 =	vmul.f32 $1.442695020e+00, v2;
	v7 =	vld.idx.msk [tilespmem:v16+s3+$0x0], $0xffff;
	v23 =	vpop (erf)  }
0xef: {  	v22 =	vor.u32 s18, v58;
	(erf) = vpow2.f32 v3;
	v45 =	vadd.f32 v23, v21  }
0xf0: {  	v56 =	vor.u32 s18, v56;
	v4 =	vld.idx.msk [tilespmem:v18+s3+$0x0], $0xffff;
	v58 =	vpop (erf)  }
0xf1: {  	(erf) = vpow2.f32 v2;
	v10 =	vmul.f32 $1.442695020e+00, v10;
	v60 =	vadd.f32 v58, v45  }
0xf2: {  	v62 =	vld.idx.msk [tilespmem:v62+s3+$0x0], $0xffff;
	v63 =	vor.u32 s18, v50;
	v21 =	vpop (erf)  }
0xf3: {  	v7 =	vmul.f32 $1.442695020e+00, v7;
	(erf) = vpow2.f32 v10;
	v2 =	vadd.f32 v21, v60  }
0xf4: {  	v22 =	vld.idx.msk [tilespmem:v22+s3+$0x0], $0xffff;
	v23 =	vor.u32 s18, v49;
	v45 =	vpop (erf)  }
0xf5: {  	v4 =	vmul.f32 $1.442695020e+00, v4;
	(erf) = vpow2.f32 v7;
	v2 =	vadd.f32 v45, v2  }
0xf6: {  	v50 =	vor.u32 s18, v51;
	v49 =	vld.idx.msk [tilespmem:v56+s3+$0x0], $0xffff;
	v51 =	vpop (erf)  }
0xf7: {  	v3 =	vmul.f32 $1.442695020e+00, v62;
	(erf) = vpow2.f32 v4;
	v2 =	vadd.f32 v51, v2  }
0xf8: {  	v58 =	vor.u32 s18, v53;
	v56 =	vld.idx.msk [tilespmem:v63+s3+$0x0], $0xffff;
	v60 =	vpop (erf)  }
0xf9: {  	v10 =	vmul.f32 $1.442695020e+00, v22;
	(erf) = vpow2.f32 v3;
	v2 =	vadd.f32 v60, v2  }
0xfa: {  	v63 =	vor.u32 s18, v54;
	v62 =	vld.idx.msk [tilespmem:v23+s3+$0x0], $0xffff;
	v21 =	vpop (erf)  }
0xfb: {  	v7 =	vmul.f32 $1.442695020e+00, v49;
	(erf) = vpow2.f32 v10;
	v2 =	vadd.f32 v21, v2  }
0xfc: {  	v22 =	vld.idx.msk [tilespmem:v50+s3+$0x0], $0xffff;
	v23 =	vor.u32 s18, v55;
	v45 =	vpop (erf)  }
0xfd: {  	v4 =	vmul.f32 $1.442695020e+00, v56;
	(erf) = vpow2.f32 v7;
	v2 =	vadd.f32 v45, v2  }
0xfe: {  	v50 =	vor.u32 s18, v57;
	v49 =	vld.idx.msk [tilespmem:v58+s3+$0x0], $0xffff;
	v51 =	vpop (erf)  }
0xff: {  	v3 =	vmul.f32 $1.442695020e+00, v62;
	(erf) = vpow2.f32 v4;
	v2 =	vadd.f32 v51, v2  }
0x100: {  	v54 =	vor.u32 s18, v59;
	v53 =	vld.idx.msk [tilespmem:v63+s3+$0x0], $0xffff;
	v55 =	vpop (erf)  }
0x101: {  	v10 =	vmul.f32 $1.442695020e+00, v22;
	(erf) = vpow2.f32 v3;
	v2 =	vadd.f32 v55, v2  }
0x102: {  	v57 =	vor.u32 s18, v52;
	v56 =	vld.idx.msk [tilespmem:v23+s3+$0x0], $0xffff;
	v58 =	vpop (erf)  }
0x103: {  	v7 =	vmul.f32 $1.442695020e+00, v49;
	(erf) = vpow2.f32 v10;
	v2 =	vadd.f32 v58, v2  }
0x104: {  	v0 =	vor.u32 s18, v0;
	v59 =	vld.idx.msk [tilespmem:v50+s3+$0x0], $0xffff;
	v60 =	vpop (erf)  }
0x105: {  	v4 =	vmul.f32 $1.442695020e+00, v53;
	(erf) = vpow2.f32 v7;
	v2 =	vadd.f32 v60, v2  }
0x106: {  	v1 =	vor.u32 s18, v1;
	v62 =	vld.idx.msk [tilespmem:v54+s3+$0x0], $0xffff;
	v63 =	vpop (erf)  }
0x107: {  	v3 =	vmul.f32 $1.442695020e+00, v56;
	(erf) = vpow2.f32 v4;
	v2 =	vadd.f32 v63, v2  }
0x108: {  	v20 =	vld.idx.msk [tilespmem:v57+s3+$0x0], $0xffff;
	v21 =	vor.u32 s18, v61;
	v22 =	vpop (erf)  }
0x109: {  	v10 =	vmul.f32 $1.442695020e+00, v59;
	(erf) = vpow2.f32 v3;
	v2 =	vadd.f32 v22, v2  }
0x10a: {  	v0 =	vld.idx.msk [tilespmem:v0+s3+$0x0], $0xffff;
	v23 =	vor.u32 s18, v6;
	v45 =	vpop (erf)  }
0x10b: {  	v1 =	vld.idx.msk [tilespmem:v1+s3+$0x0], $0xffff;
	v49 =	vmul.f32 $1.442695020e+00, v62;
	(erf) = vpow2.f32 v10;
	v2 =	vadd.f32 v45, v2  }
0x10c: {  	v50 =	vor.u32 s18, v8;
	v51 =	vpop (erf)  }
0x10d: {  	v4 =	vmul.f32 $1.442695020e+00, v20;
	(erf) = vpow2.f32 v49;
	v2 =	vadd.f32 v51, v2  }
0x10e: {  	v5 =	vor.u32 s18, v5;
	v52 =	vld.idx.msk [tilespmem:v21+s3+$0x0], $0xffff;
	v53 =	vpop (erf)  }
0x10f: {  	v0 =	vmul.f32 $1.442695020e+00, v0;
	(erf) = vpow2.f32 v4;
	v2 =	vadd.f32 v53, v2  }
0x110: {  	v1 =	vmul.f32 $1.442695020e+00, v1;
	v3 =	vld.idx.msk [tilespmem:v23+s3+$0x0], $0xffff;
	v55 =	vpop (erf)  }
0x111: {  	v54 =	vor.u32 s18, v11;
	(erf) = vpow2.f32 v0;
	v2 =	vadd.f32 v55, v2  }
0x112: {  	v56 =	vld.idx.msk [tilespmem:v50+s3+$0x0], $0xffff;
	v58 =	vor.u32 s18, v15;
	v57 =	vpop (erf)  }
0x113: {  	v6 =	vmul.f32 $1.442695020e+00, v52;
	(erf) = vpow2.f32 v1;
	v2 =	vadd.f32 v57, v2  }
0x114: {  	v5 =	vld.idx.msk [tilespmem:v5+s3+$0x0], $0xffff;
	v60 =	vor.u32 s18, v12;
	v59 =	vpop (erf)  }
0x115: {  	v3 =	vmul.f32 $1.442695020e+00, v3;
	(erf) = vpow2.f32 v6;
	v2 =	vadd.f32 v59, v2  }
0x116: {  	v62 =	vor.u32 s18, v9;
	v4 =	vld.idx.msk [tilespmem:v54+s3+$0x0], $0xffff;
	v61 =	vpop (erf)  }
0x117: {  	v12 =	vld [tilespmem:s17+$0x10000];
	v0 =	vmul.f32 $1.442695020e+00, v56;
	(erf) = vpow2.f32 v3;
	v2 =	vadd.f32 v61, v2  }
0x118: {  	v14 =	vor.u32 s18, v14;
	v1 =	vld.idx.msk [tilespmem:v58+s3+$0x0], $0xffff;
	v63 =	vpop (erf)  }
0x119: {  	v5 =	vmul.f32 $1.442695020e+00, v5;
	(erf) = vpow2.f32 v0;
	v2 =	vadd.f32 v63, v2  }
0x11a: {  	v16 =	vor.u32 s18, v13;
	v6 =	vld.idx.msk [tilespmem:v60+s3+$0x0], $0xffff;
	v15 =	vpop (erf)  }
0x11b: {  	v4 =	vmul.f32 $1.442695020e+00, v4;
	(erf) = vpow2.f32 v5;
	v2 =	vadd.f32 v15, v2  }
0x11c: {  	v18 =	vadd.s32 v48, v12;
	v3 =	vld.idx.msk [tilespmem:v62+s3+$0x0], $0xffff;
	v17 =	vpop (erf)  }
0x11d: {  	v1 =	vmul.f32 $1.442695020e+00, v1;
	(erf) = vpow2.f32 v4;
	v2 =	vadd.f32 v17, v2  }
0x11e: {  	v0 =	vld.idx.msk [tilespmem:v14+s3+$0x0], $0xffff;
	v19 =	vpop (erf)  }
0x11f: {  	v6 =	vmul.f32 $1.442695020e+00, v6;
	(erf) = vpow2.f32 v1;
	v2 =	vadd.f32 v19, v2  }
0x120: {  	v5 =	vld.idx.msk [tilespmem:v16+s3+$0x0], $0xffff;
	v20 =	vpop (erf)  }
0x121: {  	v21 =	vmul.f32 $1.442695020e+00, v3;
	v4 =	vld.idx.msk [tilespmem:v18+s3+$0x0], $0xffff;
	(erf) = vpow2.f32 v6;
	v1 =	vadd.f32 v20, v2  }
0x122: {  	v23 =	vld.idx.msk [tilespmem:v12+s12+$0x0], $0xffff;
	v22 =	vpop (erf)  }
0x123: {  	v0 =	vmul.f32 $1.442695020e+00, v0;
	(erf) = vpow2.f32 v21;
	v1 =	vadd.f32 v22, v1  }
0x124: {  	v45 =	vpop (erf)  }
0x125: {  	v48 =	vmul.f32 $1.442695020e+00, v5;
	(erf) = vpow2.f32 v0;
	v1 =	vadd.f32 v45, v1  }
0x126: {  	v50 =	vmul.f32 $1.442695020e+00, v4;
	v49 =	vpop (erf)  }
0x127: {  	v51 =	vsub.f32 v4, v23;
	(erf) = vpow2.f32 v48;
	v0 =	vadd.f32 v49, v1  }
0x128: {  	v52 =	vpop (erf)  }
0x129: {  	v53 =	vmul.f32 $1.442695020e+00, v51;
	(erf) = vpow2.f32 v50;
	v0 =	vadd.f32 v52, v0  }
0x12a: {  	v54 =	vpop (erf)  }
0x12b: {  	(erf) = vpow2.f32 v53;
	v0 =	vadd.f32 v54, v0  }
0x12c: {  	v55 =	vpop (erf)  }
0x12d: {  	v0 =	vadd.f32 v55, v0  }
0x12e: {  	v56 =	vpop (erf)  }
0x12f: {  	v0 =	vadd.f32 v56, v0  }
0x130: {  	v57 =	vpop (erf)  }
0x131: {  	v0 =	vadd.f32 v57, v0  }
0x132: {  	v58 =	vpop (erf)  }
0x133: {  	v0 =	vsub.f32 v0, v58  }
0x134: {  	v59 =	vpop (erf)  }
0x135: {  	v0 =	vadd.f32 v59, v0;
	_ =	sdelay $0x1  }
0x136: {  	v1 =	vand.u32 $0x7FFFFF, v0  }
0x137: {  	v1 =	vor.u32 $0x3F800000, v1  }
0x138: {  	v60 =	vmul.f32 $5.000000000e-01, v1  }
0x139: {  	vm3 =	vgt.f32 v1, $1.414213540e+00  }
0x13a: {  	v1 =	vsel vm3, v60, v1  }
0x13b: {  	v2 =	vadd.f32 $1.000000000e+00, v1;
	_ =	sdelay $0x1  }
0x13c: {  	(erf) = vrcp.f32 v2;
	_ =	sdelay $0x7  }
0x13d: {  	v1 =	vadd.f32 $-1.000000000e+00, v1  }
0x13e: {  	v2 =	vpop (erf)  }
0x13f: {  	v1 =	vmul.f32 v2, v1;
	_ =	sdelay $0x1  }
0x140: {  	v2 =	vmul.f32 v1, v1;
	_ =	sdelay $0x1  }
0x141: {  	v61 =	vmul.f32 $2.857142980e-01, v2;
	_ =	sdelay $0x1  }
0x142: {  	v5 =	vadd.f32 $4.000000060e-01, v61;
	_ =	sdelay $0x1  }
0x143: {  	v5 =	vmul.f32 v5, v2;
	_ =	sdelay $0x1  }
0x144: {  	v0 =	vshrl.u32 v0, $0x17;
	v5 =	vadd.f32 $6.666666860e-01, v5  }
0x145: {  	v0 =	vadd.s32 $0xFFFFFF81, v0  }
0x146: {  	v62 =	vimm.f32 $0.0e+00;
	v0 =	vcvt.s32.f32 v0;
	v2 =	vmul.f32 v5, v2  }
0x147: {  	v5 =	vsel vm3, $0x3F800000, v62  }
0x148: {  	v0 =	vadd.f32 v0, v5;
	v2 =	vadd.f32 $2.000000000e+00, v2;
	_ =	sdelay $0x1  }
0x149: {  	v0 =	vmul.f32 $6.931471820e-01, v0;
	v1 =	vmul.f32 v2, v1;
	_ =	sdelay $0x1  }
0x14a: {  	v0 =	vadd.f32 v1, v0  }
0x14b: {  	v63 =	vld [tilespmem:s17+$0x10200]  }
0x14c: {  	s16 =	sadd.s32 $0x1, s16;
	v0 =	vsub.f32 v0, v4  }
0x14d: {  	p0 =	sne.s32 s16, $0x20  }
.Ltmp1:
0x14e: {  	v0 =	vadd.f32 v0, v23;
	(pc) =	sbr.rel @p0 .LBB2_2-.Ltmp1, $3  }
0x14f: {  	_ = 	snop  }
0x150: {  	v0 =	vmul.f32 v0, v63;
	_ =	sdelay $0x1  }
0x151: {  	v46 =	vadd.f32 v63, v46;
	v47 =	vadd.f32 v0, v47  }
0x152: {  	_ = 	snop  }
0x153: {  	(xrf2) =	vadd.scan.msk.f32 $0xffff, v47  }
0x154: {  	(xrf2) =	vadd.scan.msk.f32 $0xffff, v46;
	_ =	sdelay $0x8  }
0x155: {  	v0, _, _ =	vpop (xrf2)  }
0x156: {  	v1, _, _ =	vpop (xrf2)  }
0x157: {  	v1 =	vbroadcast v1, $0xF  }
0x158: {  	v0 =	vbroadcast v0, $0xF  }
0x159: {  	s15 =	sadd.s32 $0x1, s15;
	v1 =	vnsel vm1, $0x0, v1  }
0x15a: {  	p0 =	sne.s32 s15, s8;
	v0 =	vsel vm2, v1, v0  }
.Ltmp2:
0x15b: {  	[tilespmem:$0x10480] =	vst v0;
	(pc) =	sbr.rel @p0 .LBB2_1-.Ltmp2, $4  }
0x15c: {  	[hbm4b:s7+s3] =	stream.linear.scatter [tilespmem:s14], [sflag:$0x2], $0x80, $0x38;
	[tilespmem:$0x10500] =	vst v63  }
0x15d: {  	_ =	swait.ge [sflag:s10], $0x80  }
0x15e: {  	[sflag:s10] =	ssyncset.done $0x0  }
0x15f: {  	[sflag:s10] =	ssyncadd.s32 $0xFFFFFF80  }
0x160: {  	_ =	sfence.sel $0x180000  }
0x161: {  	[bflag:$0x0] =	sbarrier.arrive $0xFFFF  }
0x162: {  	p0 =	sne.s32 s1, $0x0;
	_ =	strace $0x90000047  }
0x163: {  	s0 =	sadd.s32 @!p0 $0x100000, s2;
	[bflag:$0x2] =	sbarrier.arrive $0xFFFF  }
0x164: {  	[sflag:s0] =	ssyncadd.tile.s32 @!p0 $0x1;
	_ =	shalt  }
.Lfunc_end2:
_tile_overlayer_lowered:
.L_overlay_start_2:
0x165: {  	(tag) =	ssettag $0x2  }
0x166: {  	s0 =	rddreg [dreg:$0x0];
	s2 =	stileid.u32  }
0x167: {  	s1 =	rddreg [dreg:$0x1];
	p0 =	sne.s32 s2, $0x0  }
0x168: {  	s3 =	rddreg [dreg:$0x2];
	[bflag:$0x3] =	sbarrier.arrive $0xFFFF;
	s2 =	simm.s32 @!p0 $0x1C02  }
0x169: {  	[timem:s3], [sflag:s2] =	dma.local @!p0 [hbm:s0], s1  }
0x16a: {  	s0 =	simm.s32 @!p0 $0x2  }
0x16b: {  	_ =	swait.ge @!p0 [sflag:s0], s1  }
0x16c: {  	s1 =	ssub.s32 @!p0 $0x0, s1;
	[sflag:s0] =	ssyncset.done @!p0 $0x0  }
0x16d: {  	[sflag:s0] =	ssyncadd.s32 @!p0 s1  }
0x16e: {  	[bflag:$0x3] =	sbarrier.arrive $0xFFFF  }
0x16f: {  	_ =	shalt  }

</sc_bundles>
